<compile_context>
chip_gen: v7x
topology: tpu7x:2x2x1
jax: 0.10.2.dev20260603
libtpu: 0.0.44.dev20260713+nightly
codegen_flags: <defaults>
</compile_context>

<pallas_src>
import functools

import jax
import jax.numpy as jnp
from jax import lax
from jax.experimental import pallas as pl
from jax.experimental.pallas import tpu as pltpu
from jax.experimental.pallas import tpu_sc as plsc

B = 16384
D = 64
W = 128
N = 1000000
NC = 2
NS = 16
NW = NC * NS
CHUNK = 128
BPW = B // NW
NCHUNK = BPW // CHUNK
NFULL = N // CHUNK
TAIL = N - NFULL * CHUNK
TAIL_BASE = NFULL * CHUNK

_mesh = plsc.VectorSubcoreMesh(core_axis_name="c", subcore_axis_name="s")


@functools.partial(
    pl.kernel,
    mesh=_mesh,
    out_type=(
        jax.ShapeDtypeStruct((NW, NCHUNK, CHUNK, W), jnp.float32),
        jax.ShapeDtypeStruct((NW, NCHUNK, CHUNK, W), jnp.float32),
        jax.ShapeDtypeStruct((NW, NCHUNK, CHUNK, W), jnp.float32),
    ),
    scratch_types=[
        pltpu.VMEM((NCHUNK, CHUNK), jnp.int32),
        pltpu.VMEM((NCHUNK, CHUNK), jnp.int32),
        pltpu.VMEM((NCHUNK, CHUNK), jnp.int32),
        pltpu.VMEM((NCHUNK, CHUNK, W), jnp.float32),
        pltpu.SemaphoreType.DMA,
        pltpu.SemaphoreType.DMA,
    ],
)
def _gather3(h_idx, r_idx, t_idx, ent, rel, out_h, out_r, out_t,
             hv, rv, tv, rows, sem_i, sem_g):
    wid = lax.axis_index("s") * NC + lax.axis_index("c")
    idx_copies = [
        pltpu.async_copy(h_idx.at[wid], hv, sem_i),
        pltpu.async_copy(r_idx.at[wid], rv, sem_i),
        pltpu.async_copy(t_idx.at[wid], tv, sem_i),
    ]
    for c in idx_copies:
        c.wait()
    for table, idx_v, out in ((ent, hv, out_h), (rel, rv, out_r),
                              (ent, tv, out_t)):
        gathers = [
            pltpu.async_copy(table.at[idx_v.at[j]], rows.at[j], sem_g)
            for j in range(NCHUNK)
        ]
        for c in gathers:
            c.wait()
        pltpu.sync_copy(rows, out.at[wid])


def kernel(sample, entity_embedding, relation_embedding):
    pe = jnp.pad(entity_embedding, ((0, 0), (0, W - D)))
    pr = jnp.pad(relation_embedding, ((0, 0), (0, W - D)))
    idx = sample.T.reshape(3, NW, NCHUNK, CHUNK)
    h, r, t = _gather3(idx[0], idx[1], idx[2], pe, pr)
    h = h.reshape(B, W)
    r = r.reshape(B, W)
    t = t.reshape(B, W)
    return (h[:, None, :D], r[:, None, :D], t[:, None, :D])

# --- scband reference (transcript-rebuilt; emitter-appended) ---
"""Pipeline reference for scband-base-model-10101763080664 (READ-ONLY COPY).

The authoritative reference and input builder live on the scoring server;
editing this copy changes nothing except your own understanding.
"""

import jax, jax.numpy as jnp
import numpy as np

N_ENTITY = 1000000
N_RELATION = 1000000
HIDDEN_DIM = 64
ENTITY_DIM = 64
RELATION_DIM = 64
GAMMA = 12.0
EPSILON = 2.0
B = 16384
EMB_RANGE = (GAMMA + EPSILON) / HIDDEN_DIM


def setup_inputs(seed: int = 0) -> dict:
    key = jax.random.key(seed)
    k1, k2, k3 = jax.random.split(key, 3)
    sample = jax.random.randint(k1, (B, 3), 0, N_ENTITY, dtype=jnp.int32)
    entity_embedding = jax.random.uniform(
        k2, (N_ENTITY, ENTITY_DIM), minval=-EMB_RANGE, maxval=EMB_RANGE, dtype=jnp.float32)
    relation_embedding = jax.random.uniform(
        k3, (N_RELATION, RELATION_DIM), minval=-EMB_RANGE, maxval=EMB_RANGE, dtype=jnp.float32)
    return {
        'sample': sample,
        'entity_embedding': entity_embedding,
        'relation_embedding': relation_embedding,
    }


def reference(sample, entity_embedding, relation_embedding):
    # default_batch: index_select on entity/relation tables, then unsqueeze(1)
    head = jnp.take(entity_embedding, sample[:, 0], axis=0)[:, None, :]
    relation = jnp.take(relation_embedding, sample[:, 1], axis=0)[:, None, :]
    tail = jnp.take(entity_embedding, sample[:, 2], axis=0)[:, None, :]
    return (head, relation, tail)

if __name__ == "__main__":
    import jax
    _d = setup_inputs()
    print(jax.jit(kernel)(*tuple(_d.values())))

</pallas_src>

<mosaic_0001>
#map = affine_map<(d0, d1) -> (0, 0, 0)>
#map1 = affine_map<(d0, d1) -> (0, 0)>
#map2 = affine_map<(d0, d1) -> (0, 0, 0, 0)>
module attributes {stable_mosaic.version = 14 : i64} {
  func.func @_gather3(%arg0: i32, %arg1: i32, %arg2: memref<32x4x128xi32, #tpu.memory_space<hbm>>, %arg3: memref<32x4x128xi32, #tpu.memory_space<hbm>>, %arg4: memref<32x4x128xi32, #tpu.memory_space<hbm>>, %arg5: memref<1000000x128xf32, #tpu.memory_space<hbm>>, %arg6: memref<1000000x128xf32, #tpu.memory_space<hbm>>, %arg7: memref<32x4x128x128xf32, #tpu.memory_space<hbm>>, %arg8: memref<32x4x128x128xf32, #tpu.memory_space<hbm>>, %arg9: memref<32x4x128x128xf32, #tpu.memory_space<hbm>>, %arg10: memref<4x128xi32, #tpu.memory_space<vmem>>, %arg11: memref<4x128xi32, #tpu.memory_space<vmem>>, %arg12: memref<4x128xi32, #tpu.memory_space<vmem>>, %arg13: memref<4x128x128xf32, #tpu.memory_space<vmem>>, %arg14: memref<!tpu.dma_semaphore, #tpu.memory_space<semaphore_mem>>, %arg15: memref<!tpu.dma_semaphore, #tpu.memory_space<semaphore_mem>>) attributes {dimension_semantics = [#tpu.dimension_semantics<core_parallel>, #tpu.dimension_semantics<subcore_parallel>], iteration_bounds = array<i64: 2, 16>, scalar_prefetch = 0 : i64, scratch_operands = 6 : i64, tpu.core_type = #tpu.core_type<sc_vector_subcore>, window_params = [{transform_indices = #map}, {transform_indices = #map}, {transform_indices = #map}, {transform_indices = #map1}, {transform_indices = #map1}, {transform_indices = #map2}, {transform_indices = #map2}, {transform_indices = #map2}]} {
    %mul3A = arith.constant 2 : i32
    %mul3A_0 = arith.muli %arg1, %mul3A : i32
    %add3A = arith.addi %mul3A_0, %arg0 : i32
    %dma_start3A = arith.constant 0 : i32
    %dma_start3A_1 = arith.constant 0 : i32
    %dma_start3A_2 = tpu.memref_slice %arg2[%add3A, %dma_start3A, %dma_start3A_1] : memref<32x4x128xi32, #tpu.memory_space<hbm>> -> memref<1x4x128xi32, #tpu.memory_space<hbm>>
    %dma_start3A_3 = tpu.memref_squeeze %dma_start3A_2 : memref<1x4x128xi32, #tpu.memory_space<hbm>> -> memref<4x128xi32, #tpu.memory_space<hbm>>
    %dma_start3A_4 = arith.constant 0 : i32
    %dma_start3A_5 = arith.constant 0 : i32
    %dma_start3A_6 = tpu.memref_slice %arg2[%add3A, %dma_start3A_4, %dma_start3A_5] : memref<32x4x128xi32, #tpu.memory_space<hbm>> -> memref<1x4x128xi32, #tpu.memory_space<hbm>>
    %dma_start3A_7 = tpu.memref_squeeze %dma_start3A_6 : memref<1x4x128xi32, #tpu.memory_space<hbm>> -> memref<4x128xi32, #tpu.memory_space<hbm>>
    tpu.enqueue_dma source(%dma_start3A_7 : memref<4x128xi32, #tpu.memory_space<hbm>>) target(%arg10 : memref<4x128xi32, #tpu.memory_space<vmem>>) target_semaphore(%arg14 : memref<!tpu.dma_semaphore, #tpu.memory_space<semaphore_mem>>)
    %dma_start3A_8 = arith.constant 0 : i32
    %dma_start3A_9 = arith.constant 0 : i32
    %dma_start3A_10 = tpu.memref_slice %arg3[%add3A, %dma_start3A_8, %dma_start3A_9] : memref<32x4x128xi32, #tpu.memory_space<hbm>> -> memref<1x4x128xi32, #tpu.memory_space<hbm>>
    %dma_start3A_11 = tpu.memref_squeeze %dma_start3A_10 : memref<1x4x128xi32, #tpu.memory_space<hbm>> -> memref<4x128xi32, #tpu.memory_space<hbm>>
    %dma_start3A_12 = arith.constant 0 : i32
    %dma_start3A_13 = arith.constant 0 : i32
    %dma_start3A_14 = tpu.memref_slice %arg3[%add3A, %dma_start3A_12, %dma_start3A_13] : memref<32x4x128xi32, #tpu.memory_space<hbm>> -> memref<1x4x128xi32, #tpu.memory_space<hbm>>
    %dma_start3A_15 = tpu.memref_squeeze %dma_start3A_14 : memref<1x4x128xi32, #tpu.memory_space<hbm>> -> memref<4x128xi32, #tpu.memory_space<hbm>>
    tpu.enqueue_dma source(%dma_start3A_15 : memref<4x128xi32, #tpu.memory_space<hbm>>) target(%arg11 : memref<4x128xi32, #tpu.memory_space<vmem>>) target_semaphore(%arg14 : memref<!tpu.dma_semaphore, #tpu.memory_space<semaphore_mem>>)
    %dma_start3A_16 = arith.constant 0 : i32
    %dma_start3A_17 = arith.constant 0 : i32
    %dma_start3A_18 = tpu.memref_slice %arg4[%add3A, %dma_start3A_16, %dma_start3A_17] : memref<32x4x128xi32, #tpu.memory_space<hbm>> -> memref<1x4x128xi32, #tpu.memory_space<hbm>>
    %dma_start3A_19 = tpu.memref_squeeze %dma_start3A_18 : memref<1x4x128xi32, #tpu.memory_space<hbm>> -> memref<4x128xi32, #tpu.memory_space<hbm>>
    %dma_start3A_20 = arith.constant 0 : i32
    %dma_start3A_21 = arith.constant 0 : i32
    %dma_start3A_22 = tpu.memref_slice %arg4[%add3A, %dma_start3A_20, %dma_start3A_21] : memref<32x4x128xi32, #tpu.memory_space<hbm>> -> memref<1x4x128xi32, #tpu.memory_space<hbm>>
    %dma_start3A_23 = tpu.memref_squeeze %dma_start3A_22 : memref<1x4x128xi32, #tpu.memory_space<hbm>> -> memref<4x128xi32, #tpu.memory_space<hbm>>
    tpu.enqueue_dma source(%dma_start3A_23 : memref<4x128xi32, #tpu.memory_space<hbm>>) target(%arg12 : memref<4x128xi32, #tpu.memory_space<vmem>>) target_semaphore(%arg14 : memref<!tpu.dma_semaphore, #tpu.memory_space<semaphore_mem>>)
    %dma_wait3A = arith.constant 0 : i32
    %dma_wait3A_24 = arith.constant 0 : i32
    %dma_wait3A_25 = tpu.memref_slice %arg2[%add3A, %dma_wait3A, %dma_wait3A_24] : memref<32x4x128xi32, #tpu.memory_space<hbm>> -> memref<1x4x128xi32, #tpu.memory_space<hbm>>
    %dma_wait3A_26 = tpu.memref_squeeze %dma_wait3A_25 : memref<1x4x128xi32, #tpu.memory_space<hbm>> -> memref<4x128xi32, #tpu.memory_space<hbm>>
    %dma_wait3A_27 = arith.constant 0 : i32
    %dma_wait3A_28 = arith.constant 0 : i32
    %dma_wait3A_29 = tpu.memref_slice %arg2[%add3A, %dma_wait3A_27, %dma_wait3A_28] : memref<32x4x128xi32, #tpu.memory_space<hbm>> -> memref<1x4x128xi32, #tpu.memory_space<hbm>>
    %dma_wait3A_30 = tpu.memref_squeeze %dma_wait3A_29 : memref<1x4x128xi32, #tpu.memory_space<hbm>> -> memref<4x128xi32, #tpu.memory_space<hbm>>
    tpu.wait_dma2 semaphore(%arg14 : memref<!tpu.dma_semaphore, #tpu.memory_space<semaphore_mem>>) src(%dma_wait3A_30 : memref<4x128xi32, #tpu.memory_space<hbm>>) dst(%arg10 : memref<4x128xi32, #tpu.memory_space<vmem>>)
    %dma_wait3A_31 = arith.constant 0 : i32
    %dma_wait3A_32 = arith.constant 0 : i32
    %dma_wait3A_33 = tpu.memref_slice %arg3[%add3A, %dma_wait3A_31, %dma_wait3A_32] : memref<32x4x128xi32, #tpu.memory_space<hbm>> -> memref<1x4x128xi32, #tpu.memory_space<hbm>>
    %dma_wait3A_34 = tpu.memref_squeeze %dma_wait3A_33 : memref<1x4x128xi32, #tpu.memory_space<hbm>> -> memref<4x128xi32, #tpu.memory_space<hbm>>
    %dma_wait3A_35 = arith.constant 0 : i32
    %dma_wait3A_36 = arith.constant 0 : i32
    %dma_wait3A_37 = tpu.memref_slice %arg3[%add3A, %dma_wait3A_35, %dma_wait3A_36] : memref<32x4x128xi32, #tpu.memory_space<hbm>> -> memref<1x4x128xi32, #tpu.memory_space<hbm>>
    %dma_wait3A_38 = tpu.memref_squeeze %dma_wait3A_37 : memref<1x4x128xi32, #tpu.memory_space<hbm>> -> memref<4x128xi32, #tpu.memory_space<hbm>>
    tpu.wait_dma2 semaphore(%arg14 : memref<!tpu.dma_semaphore, #tpu.memory_space<semaphore_mem>>) src(%dma_wait3A_38 : memref<4x128xi32, #tpu.memory_space<hbm>>) dst(%arg11 : memref<4x128xi32, #tpu.memory_space<vmem>>)
    %dma_wait3A_39 = arith.constant 0 : i32
    %dma_wait3A_40 = arith.constant 0 : i32
    %dma_wait3A_41 = tpu.memref_slice %arg4[%add3A, %dma_wait3A_39, %dma_wait3A_40] : memref<32x4x128xi32, #tpu.memory_space<hbm>> -> memref<1x4x128xi32, #tpu.memory_space<hbm>>
    %dma_wait3A_42 = tpu.memref_squeeze %dma_wait3A_41 : memref<1x4x128xi32, #tpu.memory_space<hbm>> -> memref<4x128xi32, #tpu.memory_space<hbm>>
    %dma_wait3A_43 = arith.constant 0 : i32
    %dma_wait3A_44 = arith.constant 0 : i32
    %dma_wait3A_45 = tpu.memref_slice %arg4[%add3A, %dma_wait3A_43, %dma_wait3A_44] : memref<32x4x128xi32, #tpu.memory_space<hbm>> -> memref<1x4x128xi32, #tpu.memory_space<hbm>>
    %dma_wait3A_46 = tpu.memref_squeeze %dma_wait3A_45 : memref<1x4x128xi32, #tpu.memory_space<hbm>> -> memref<4x128xi32, #tpu.memory_space<hbm>>
    tpu.wait_dma2 semaphore(%arg14 : memref<!tpu.dma_semaphore, #tpu.memory_space<semaphore_mem>>) src(%dma_wait3A_46 : memref<4x128xi32, #tpu.memory_space<hbm>>) dst(%arg12 : memref<4x128xi32, #tpu.memory_space<vmem>>)
    %dma_start3A_47 = arith.constant 0 : i32
    %dma_start3A_48 = arith.constant 0 : i32
    %dma_start3A_49 = arith.constant 0 : i32
    %dma_start3A_50 = arith.constant 0 : i32
    %dma_start3A_51 = tpu.memref_slice %arg13[%dma_start3A_48, %dma_start3A_49, %dma_start3A_50] : memref<4x128x128xf32, #tpu.memory_space<vmem>> -> memref<1x128x128xf32, #tpu.memory_space<vmem>>
    %dma_start3A_52 = tpu.memref_squeeze %dma_start3A_51 : memref<1x128x128xf32, #tpu.memory_space<vmem>> -> memref<128x128xf32, #tpu.memory_space<vmem>>
    %dma_start3A_53 = arith.constant 0 : i32
    %dma_start3A_54 = tpu.memref_slice %arg10[%dma_start3A_47, %dma_start3A_53] : memref<4x128xi32, #tpu.memory_space<vmem>> -> memref<1x128xi32, #tpu.memory_space<vmem>>
    %dma_start3A_55 = tpu.memref_squeeze %dma_start3A_54 : memref<1x128xi32, #tpu.memory_space<vmem>> -> memref<128xi32, #tpu.memory_space<vmem>>
    %dma_start3A_56 = arith.constant 0 : i32
    %dma_start3A_57 = arith.constant 0 : i32
    %dma_start3A_58 = tpu.memref_slice %arg5[%dma_start3A_56, %dma_start3A_57] : memref<1000000x128xf32, #tpu.memory_space<hbm>> -> memref<1000000x128xf32, #tpu.memory_space<hbm>>
    tpu.enqueue_indirect_dma source(%dma_start3A_58 : memref<1000000x128xf32, #tpu.memory_space<hbm>>) target(%dma_start3A_52 : memref<128x128xf32, #tpu.memory_space<vmem>>) offsets(%dma_start3A_55 : memref<128xi32, #tpu.memory_space<vmem>>) semaphore(%arg15 : memref<!tpu.dma_semaphore, #tpu.memory_space<semaphore_mem>>)
    %dma_start3A_59 = arith.constant 1 : i32
    %dma_start3A_60 = arith.constant 1 : i32
    %dma_start3A_61 = arith.constant 0 : i32
    %dma_start3A_62 = arith.constant 0 : i32
    %dma_start3A_63 = tpu.memref_slice %arg13[%dma_start3A_60, %dma_start3A_61, %dma_start3A_62] : memref<4x128x128xf32, #tpu.memory_space<vmem>> -> memref<1x128x128xf32, #tpu.memory_space<vmem>>
    %dma_start3A_64 = tpu.memref_squeeze %dma_start3A_63 : memref<1x128x128xf32, #tpu.memory_space<vmem>> -> memref<128x128xf32, #tpu.memory_space<vmem>>
    %dma_start3A_65 = arith.constant 0 : i32
    %dma_start3A_66 = tpu.memref_slice %arg10[%dma_start3A_59, %dma_start3A_65] : memref<4x128xi32, #tpu.memory_space<vmem>> -> memref<1x128xi32, #tpu.memory_space<vmem>>
    %dma_start3A_67 = tpu.memref_squeeze %dma_start3A_66 : memref<1x128xi32, #tpu.memory_space<vmem>> -> memref<128xi32, #tpu.memory_space<vmem>>
    %dma_start3A_68 = arith.constant 0 : i32
    %dma_start3A_69 = arith.constant 0 : i32
    %dma_start3A_70 = tpu.memref_slice %arg5[%dma_start3A_68, %dma_start3A_69] : memref<1000000x128xf32, #tpu.memory_space<hbm>> -> memref<1000000x128xf32, #tpu.memory_space<hbm>>
    tpu.enqueue_indirect_dma source(%dma_start3A_70 : memref<1000000x128xf32, #tpu.memory_space<hbm>>) target(%dma_start3A_64 : memref<128x128xf32, #tpu.memory_space<vmem>>) offsets(%dma_start3A_67 : memref<128xi32, #tpu.memory_space<vmem>>) semaphore(%arg15 : memref<!tpu.dma_semaphore, #tpu.memory_space<semaphore_mem>>)
    %dma_start3A_71 = arith.constant 2 : i32
    %dma_start3A_72 = arith.constant 2 : i32
    %dma_start3A_73 = arith.constant 0 : i32
    %dma_start3A_74 = arith.constant 0 : i32
    %dma_start3A_75 = tpu.memref_slice %arg13[%dma_start3A_72, %dma_start3A_73, %dma_start3A_74] : memref<4x128x128xf32, #tpu.memory_space<vmem>> -> memref<1x128x128xf32, #tpu.memory_space<vmem>>
    %dma_start3A_76 = tpu.memref_squeeze %dma_start3A_75 : memref<1x128x128xf32, #tpu.memory_space<vmem>> -> memref<128x128xf32, #tpu.memory_space<vmem>>
    %dma_start3A_77 = arith.constant 0 : i32
    %dma_start3A_78 = tpu.memref_slice %arg10[%dma_start3A_71, %dma_start3A_77] : memref<4x128xi32, #tpu.memory_space<vmem>> -> memref<1x128xi32, #tpu.memory_space<vmem>>
    %dma_start3A_79 = tpu.memref_squeeze %dma_start3A_78 : memref<1x128xi32, #tpu.memory_space<vmem>> -> memref<128xi32, #tpu.memory_space<vmem>>
    %dma_start3A_80 = arith.constant 0 : i32
    %dma_start3A_81 = arith.constant 0 : i32
    %dma_start3A_82 = tpu.memref_slice %arg5[%dma_start3A_80, %dma_start3A_81] : memref<1000000x128xf32, #tpu.memory_space<hbm>> -> memref<1000000x128xf32, #tpu.memory_space<hbm>>
    tpu.enqueue_indirect_dma source(%dma_start3A_82 : memref<1000000x128xf32, #tpu.memory_space<hbm>>) target(%dma_start3A_76 : memref<128x128xf32, #tpu.memory_space<vmem>>) offsets(%dma_start3A_79 : memref<128xi32, #tpu.memory_space<vmem>>) semaphore(%arg15 : memref<!tpu.dma_semaphore, #tpu.memory_space<semaphore_mem>>)
    %dma_start3A_83 = arith.constant 3 : i32
    %dma_start3A_84 = arith.constant 3 : i32
    %dma_start3A_85 = arith.constant 0 : i32
    %dma_start3A_86 = arith.constant 0 : i32
    %dma_start3A_87 = tpu.memref_slice %arg13[%dma_start3A_84, %dma_start3A_85, %dma_start3A_86] : memref<4x128x128xf32, #tpu.memory_space<vmem>> -> memref<1x128x128xf32, #tpu.memory_space<vmem>>
    %dma_start3A_88 = tpu.memref_squeeze %dma_start3A_87 : memref<1x128x128xf32, #tpu.memory_space<vmem>> -> memref<128x128xf32, #tpu.memory_space<vmem>>
    %dma_start3A_89 = arith.constant 0 : i32
    %dma_start3A_90 = tpu.memref_slice %arg10[%dma_start3A_83, %dma_start3A_89] : memref<4x128xi32, #tpu.memory_space<vmem>> -> memref<1x128xi32, #tpu.memory_space<vmem>>
    %dma_start3A_91 = tpu.memref_squeeze %dma_start3A_90 : memref<1x128xi32, #tpu.memory_space<vmem>> -> memref<128xi32, #tpu.memory_space<vmem>>
    %dma_start3A_92 = arith.constant 0 : i32
    %dma_start3A_93 = arith.constant 0 : i32
    %dma_start3A_94 = tpu.memref_slice %arg5[%dma_start3A_92, %dma_start3A_93] : memref<1000000x128xf32, #tpu.memory_space<hbm>> -> memref<1000000x128xf32, #tpu.memory_space<hbm>>
    tpu.enqueue_indirect_dma source(%dma_start3A_94 : memref<1000000x128xf32, #tpu.memory_space<hbm>>) target(%dma_start3A_88 : memref<128x128xf32, #tpu.memory_space<vmem>>) offsets(%dma_start3A_91 : memref<128xi32, #tpu.memory_space<vmem>>) semaphore(%arg15 : memref<!tpu.dma_semaphore, #tpu.memory_space<semaphore_mem>>)
    %dma_wait3A_95 = arith.constant 0 : i32
    %dma_wait3A_96 = arith.constant 0 : i32
    %dma_wait3A_97 = arith.constant 0 : i32
    %dma_wait3A_98 = arith.constant 0 : i32
    %dma_wait3A_99 = tpu.memref_slice %arg13[%dma_wait3A_96, %dma_wait3A_97, %dma_wait3A_98] : memref<4x128x128xf32, #tpu.memory_space<vmem>> -> memref<1x128x128xf32, #tpu.memory_space<vmem>>
    %dma_wait3A_100 = tpu.memref_squeeze %dma_wait3A_99 : memref<1x128x128xf32, #tpu.memory_space<vmem>> -> memref<128x128xf32, #tpu.memory_space<vmem>>
    %dma_wait3A_101 = arith.constant 0 : i32
    %dma_wait3A_102 = tpu.memref_slice %arg10[%dma_wait3A_95, %dma_wait3A_101] : memref<4x128xi32, #tpu.memory_space<vmem>> -> memref<1x128xi32, #tpu.memory_space<vmem>>
    %dma_wait3A_103 = tpu.memref_squeeze %dma_wait3A_102 : memref<1x128xi32, #tpu.memory_space<vmem>> -> memref<128xi32, #tpu.memory_space<vmem>>
    %dma_wait3A_104 = arith.constant 0 : i32
    %dma_wait3A_105 = arith.constant 0 : i32
    %dma_wait3A_106 = tpu.memref_slice %arg5[%dma_wait3A_104, %dma_wait3A_105] : memref<1000000x128xf32, #tpu.memory_space<hbm>> -> memref<1000000x128xf32, #tpu.memory_space<hbm>>
    tpu.wait_indirect_dma semaphore(%arg15 : memref<!tpu.dma_semaphore, #tpu.memory_space<semaphore_mem>>) src(%dma_wait3A_106 : memref<1000000x128xf32, #tpu.memory_space<hbm>>) dst(%dma_wait3A_100 : memref<128x128xf32, #tpu.memory_space<vmem>>)
    %dma_wait3A_107 = arith.constant 1 : i32
    %dma_wait3A_108 = arith.constant 1 : i32
    %dma_wait3A_109 = arith.constant 0 : i32
    %dma_wait3A_110 = arith.constant 0 : i32
    %dma_wait3A_111 = tpu.memref_slice %arg13[%dma_wait3A_108, %dma_wait3A_109, %dma_wait3A_110] : memref<4x128x128xf32, #tpu.memory_space<vmem>> -> memref<1x128x128xf32, #tpu.memory_space<vmem>>
    %dma_wait3A_112 = tpu.memref_squeeze %dma_wait3A_111 : memref<1x128x128xf32, #tpu.memory_space<vmem>> -> memref<128x128xf32, #tpu.memory_space<vmem>>
    %dma_wait3A_113 = arith.constant 0 : i32
    %dma_wait3A_114 = tpu.memref_slice %arg10[%dma_wait3A_107, %dma_wait3A_113] : memref<4x128xi32, #tpu.memory_space<vmem>> -> memref<1x128xi32, #tpu.memory_space<vmem>>
    %dma_wait3A_115 = tpu.memref_squeeze %dma_wait3A_114 : memref<1x128xi32, #tpu.memory_space<vmem>> -> memref<128xi32, #tpu.memory_space<vmem>>
    %dma_wait3A_116 = arith.constant 0 : i32
    %dma_wait3A_117 = arith.constant 0 : i32
    %dma_wait3A_118 = tpu.memref_slice %arg5[%dma_wait3A_116, %dma_wait3A_117] : memref<1000000x128xf32, #tpu.memory_space<hbm>> -> memref<1000000x128xf32, #tpu.memory_space<hbm>>
    tpu.wait_indirect_dma semaphore(%arg15 : memref<!tpu.dma_semaphore, #tpu.memory_space<semaphore_mem>>) src(%dma_wait3A_118 : memref<1000000x128xf32, #tpu.memory_space<hbm>>) dst(%dma_wait3A_112 : memref<128x128xf32, #tpu.memory_space<vmem>>)
    %dma_wait3A_119 = arith.constant 2 : i32
    %dma_wait3A_120 = arith.constant 2 : i32
    %dma_wait3A_121 = arith.constant 0 : i32
    %dma_wait3A_122 = arith.constant 0 : i32
    %dma_wait3A_123 = tpu.memref_slice %arg13[%dma_wait3A_120, %dma_wait3A_121, %dma_wait3A_122] : memref<4x128x128xf32, #tpu.memory_space<vmem>> -> memref<1x128x128xf32, #tpu.memory_space<vmem>>
    %dma_wait3A_124 = tpu.memref_squeeze %dma_wait3A_123 : memref<1x128x128xf32, #tpu.memory_space<vmem>> -> memref<128x128xf32, #tpu.memory_space<vmem>>
    %dma_wait3A_125 = arith.constant 0 : i32
    %dma_wait3A_126 = tpu.memref_slice %arg10[%dma_wait3A_119, %dma_wait3A_125] : memref<4x128xi32, #tpu.memory_space<vmem>> -> memref<1x128xi32, #tpu.memory_space<vmem>>
    %dma_wait3A_127 = tpu.memref_squeeze %dma_wait3A_126 : memref<1x128xi32, #tpu.memory_space<vmem>> -> memref<128xi32, #tpu.memory_space<vmem>>
    %dma_wait3A_128 = arith.constant 0 : i32
    %dma_wait3A_129 = arith.constant 0 : i32
    %dma_wait3A_130 = tpu.memref_slice %arg5[%dma_wait3A_128, %dma_wait3A_129] : memref<1000000x128xf32, #tpu.memory_space<hbm>> -> memref<1000000x128xf32, #tpu.memory_space<hbm>>
    tpu.wait_indirect_dma semaphore(%arg15 : memref<!tpu.dma_semaphore, #tpu.memory_space<semaphore_mem>>) src(%dma_wait3A_130 : memref<1000000x128xf32, #tpu.memory_space<hbm>>) dst(%dma_wait3A_124 : memref<128x128xf32, #tpu.memory_space<vmem>>)
    %dma_wait3A_131 = arith.constant 3 : i32
    %dma_wait3A_132 = arith.constant 3 : i32
    %dma_wait3A_133 = arith.constant 0 : i32
    %dma_wait3A_134 = arith.constant 0 : i32
    %dma_wait3A_135 = tpu.memref_slice %arg13[%dma_wait3A_132, %dma_wait3A_133, %dma_wait3A_134] : memref<4x128x128xf32, #tpu.memory_space<vmem>> -> memref<1x128x128xf32, #tpu.memory_space<vmem>>
    %dma_wait3A_136 = tpu.memref_squeeze %dma_wait3A_135 : memref<1x128x128xf32, #tpu.memory_space<vmem>> -> memref<128x128xf32, #tpu.memory_space<vmem>>
    %dma_wait3A_137 = arith.constant 0 : i32
    %dma_wait3A_138 = tpu.memref_slice %arg10[%dma_wait3A_131, %dma_wait3A_137] : memref<4x128xi32, #tpu.memory_space<vmem>> -> memref<1x128xi32, #tpu.memory_space<vmem>>
    %dma_wait3A_139 = tpu.memref_squeeze %dma_wait3A_138 : memref<1x128xi32, #tpu.memory_space<vmem>> -> memref<128xi32, #tpu.memory_space<vmem>>
    %dma_wait3A_140 = arith.constant 0 : i32
    %dma_wait3A_141 = arith.constant 0 : i32
    %dma_wait3A_142 = tpu.memref_slice %arg5[%dma_wait3A_140, %dma_wait3A_141] : memref<1000000x128xf32, #tpu.memory_space<hbm>> -> memref<1000000x128xf32, #tpu.memory_space<hbm>>
    tpu.wait_indirect_dma semaphore(%arg15 : memref<!tpu.dma_semaphore, #tpu.memory_space<semaphore_mem>>) src(%dma_wait3A_142 : memref<1000000x128xf32, #tpu.memory_space<hbm>>) dst(%dma_wait3A_136 : memref<128x128xf32, #tpu.memory_space<vmem>>)
    "tpu.region"() ({
      %run_scoped3A = tpu.sem_alloc : memref<!tpu.dma_semaphore, #tpu.memory_space<semaphore_mem>>
      %dma_start3A_335 = arith.constant 0 : i32
      %dma_start3A_336 = arith.constant 0 : i32
      %dma_start3A_337 = arith.constant 0 : i32
      %dma_start3A_338 = tpu.memref_slice %arg7[%add3A, %dma_start3A_335, %dma_start3A_336, %dma_start3A_337] : memref<32x4x128x128xf32, #tpu.memory_space<hbm>> -> memref<1x4x128x128xf32, #tpu.memory_space<hbm>>
      %dma_start3A_339 = tpu.memref_squeeze %dma_start3A_338 : memref<1x4x128x128xf32, #tpu.memory_space<hbm>> -> memref<4x128x128xf32, #tpu.memory_space<hbm>>
      %dma_start3A_340 = arith.constant 0 : i32
      %dma_start3A_341 = arith.constant 0 : i32
      %dma_start3A_342 = arith.constant 0 : i32
      %dma_start3A_343 = tpu.memref_slice %arg7[%add3A, %dma_start3A_340, %dma_start3A_341, %dma_start3A_342] : memref<32x4x128x128xf32, #tpu.memory_space<hbm>> -> memref<1x4x128x128xf32, #tpu.memory_space<hbm>>
      %dma_start3A_344 = tpu.memref_squeeze %dma_start3A_343 : memref<1x4x128x128xf32, #tpu.memory_space<hbm>> -> memref<4x128x128xf32, #tpu.memory_space<hbm>>
      tpu.enqueue_dma source(%arg13 : memref<4x128x128xf32, #tpu.memory_space<vmem>>) target(%dma_start3A_344 : memref<4x128x128xf32, #tpu.memory_space<hbm>>) target_semaphore(%run_scoped3A : memref<!tpu.dma_semaphore, #tpu.memory_space<semaphore_mem>>)
      %dma_wait3A_345 = arith.constant 0 : i32
      %dma_wait3A_346 = arith.constant 0 : i32
      %dma_wait3A_347 = arith.constant 0 : i32
      %dma_wait3A_348 = tpu.memref_slice %arg7[%add3A, %dma_wait3A_345, %dma_wait3A_346, %dma_wait3A_347] : memref<32x4x128x128xf32, #tpu.memory_space<hbm>> -> memref<1x4x128x128xf32, #tpu.memory_space<hbm>>
      %dma_wait3A_349 = tpu.memref_squeeze %dma_wait3A_348 : memref<1x4x128x128xf32, #tpu.memory_space<hbm>> -> memref<4x128x128xf32, #tpu.memory_space<hbm>>
      %dma_wait3A_350 = arith.constant 0 : i32
      %dma_wait3A_351 = arith.constant 0 : i32
      %dma_wait3A_352 = arith.constant 0 : i32
      %dma_wait3A_353 = tpu.memref_slice %arg7[%add3A, %dma_wait3A_350, %dma_wait3A_351, %dma_wait3A_352] : memref<32x4x128x128xf32, #tpu.memory_space<hbm>> -> memref<1x4x128x128xf32, #tpu.memory_space<hbm>>
      %dma_wait3A_354 = tpu.memref_squeeze %dma_wait3A_353 : memref<1x4x128x128xf32, #tpu.memory_space<hbm>> -> memref<4x128x128xf32, #tpu.memory_space<hbm>>
      tpu.wait_dma2 semaphore(%run_scoped3A : memref<!tpu.dma_semaphore, #tpu.memory_space<semaphore_mem>>) src(%arg13 : memref<4x128x128xf32, #tpu.memory_space<vmem>>) dst(%dma_wait3A_354 : memref<4x128x128xf32, #tpu.memory_space<hbm>>)
      tpu.yield
    }) : () -> ()
    %dma_start3A_143 = arith.constant 0 : i32
    %dma_start3A_144 = arith.constant 0 : i32
    %dma_start3A_145 = arith.constant 0 : i32
    %dma_start3A_146 = arith.constant 0 : i32
    %dma_start3A_147 = tpu.memref_slice %arg13[%dma_start3A_144, %dma_start3A_145, %dma_start3A_146] : memref<4x128x128xf32, #tpu.memory_space<vmem>> -> memref<1x128x128xf32, #tpu.memory_space<vmem>>
    %dma_start3A_148 = tpu.memref_squeeze %dma_start3A_147 : memref<1x128x128xf32, #tpu.memory_space<vmem>> -> memref<128x128xf32, #tpu.memory_space<vmem>>
    %dma_start3A_149 = arith.constant 0 : i32
    %dma_start3A_150 = tpu.memref_slice %arg11[%dma_start3A_143, %dma_start3A_149] : memref<4x128xi32, #tpu.memory_space<vmem>> -> memref<1x128xi32, #tpu.memory_space<vmem>>
    %dma_start3A_151 = tpu.memref_squeeze %dma_start3A_150 : memref<1x128xi32, #tpu.memory_space<vmem>> -> memref<128xi32, #tpu.memory_space<vmem>>
    %dma_start3A_152 = arith.constant 0 : i32
    %dma_start3A_153 = arith.constant 0 : i32
    %dma_start3A_154 = tpu.memref_slice %arg6[%dma_start3A_152, %dma_start3A_153] : memref<1000000x128xf32, #tpu.memory_space<hbm>> -> memref<1000000x128xf32, #tpu.memory_space<hbm>>
    tpu.enqueue_indirect_dma source(%dma_start3A_154 : memref<1000000x128xf32, #tpu.memory_space<hbm>>) target(%dma_start3A_148 : memref<128x128xf32, #tpu.memory_space<vmem>>) offsets(%dma_start3A_151 : memref<128xi32, #tpu.memory_space<vmem>>) semaphore(%arg15 : memref<!tpu.dma_semaphore, #tpu.memory_space<semaphore_mem>>)
    %dma_start3A_155 = arith.constant 1 : i32
    %dma_start3A_156 = arith.constant 1 : i32
    %dma_start3A_157 = arith.constant 0 : i32
    %dma_start3A_158 = arith.constant 0 : i32
    %dma_start3A_159 = tpu.memref_slice %arg13[%dma_start3A_156, %dma_start3A_157, %dma_start3A_158] : memref<4x128x128xf32, #tpu.memory_space<vmem>> -> memref<1x128x128xf32, #tpu.memory_space<vmem>>
    %dma_start3A_160 = tpu.memref_squeeze %dma_start3A_159 : memref<1x128x128xf32, #tpu.memory_space<vmem>> -> memref<128x128xf32, #tpu.memory_space<vmem>>
    %dma_start3A_161 = arith.constant 0 : i32
    %dma_start3A_162 = tpu.memref_slice %arg11[%dma_start3A_155, %dma_start3A_161] : memref<4x128xi32, #tpu.memory_space<vmem>> -> memref<1x128xi32, #tpu.memory_space<vmem>>
    %dma_start3A_163 = tpu.memref_squeeze %dma_start3A_162 : memref<1x128xi32, #tpu.memory_space<vmem>> -> memref<128xi32, #tpu.memory_space<vmem>>
    %dma_start3A_164 = arith.constant 0 : i32
    %dma_start3A_165 = arith.constant 0 : i32
    %dma_start3A_166 = tpu.memref_slice %arg6[%dma_start3A_164, %dma_start3A_165] : memref<1000000x128xf32, #tpu.memory_space<hbm>> -> memref<1000000x128xf32, #tpu.memory_space<hbm>>
    tpu.enqueue_indirect_dma source(%dma_start3A_166 : memref<1000000x128xf32, #tpu.memory_space<hbm>>) target(%dma_start3A_160 : memref<128x128xf32, #tpu.memory_space<vmem>>) offsets(%dma_start3A_163 : memref<128xi32, #tpu.memory_space<vmem>>) semaphore(%arg15 : memref<!tpu.dma_semaphore, #tpu.memory_space<semaphore_mem>>)
    %dma_start3A_167 = arith.constant 2 : i32
    %dma_start3A_168 = arith.constant 2 : i32
    %dma_start3A_169 = arith.constant 0 : i32
    %dma_start3A_170 = arith.constant 0 : i32
    %dma_start3A_171 = tpu.memref_slice %arg13[%dma_start3A_168, %dma_start3A_169, %dma_start3A_170] : memref<4x128x128xf32, #tpu.memory_space<vmem>> -> memref<1x128x128xf32, #tpu.memory_space<vmem>>
    %dma_start3A_172 = tpu.memref_squeeze %dma_start3A_171 : memref<1x128x128xf32, #tpu.memory_space<vmem>> -> memref<128x128xf32, #tpu.memory_space<vmem>>
    %dma_start3A_173 = arith.constant 0 : i32
    %dma_start3A_174 = tpu.memref_slice %arg11[%dma_start3A_167, %dma_start3A_173] : memref<4x128xi32, #tpu.memory_space<vmem>> -> memref<1x128xi32, #tpu.memory_space<vmem>>
    %dma_start3A_175 = tpu.memref_squeeze %dma_start3A_174 : memref<1x128xi32, #tpu.memory_space<vmem>> -> memref<128xi32, #tpu.memory_space<vmem>>
    %dma_start3A_176 = arith.constant 0 : i32
    %dma_start3A_177 = arith.constant 0 : i32
    %dma_start3A_178 = tpu.memref_slice %arg6[%dma_start3A_176, %dma_start3A_177] : memref<1000000x128xf32, #tpu.memory_space<hbm>> -> memref<1000000x128xf32, #tpu.memory_space<hbm>>
    tpu.enqueue_indirect_dma source(%dma_start3A_178 : memref<1000000x128xf32, #tpu.memory_space<hbm>>) target(%dma_start3A_172 : memref<128x128xf32, #tpu.memory_space<vmem>>) offsets(%dma_start3A_175 : memref<128xi32, #tpu.memory_space<vmem>>) semaphore(%arg15 : memref<!tpu.dma_semaphore, #tpu.memory_space<semaphore_mem>>)
    %dma_start3A_179 = arith.constant 3 : i32
    %dma_start3A_180 = arith.constant 3 : i32
    %dma_start3A_181 = arith.constant 0 : i32
    %dma_start3A_182 = arith.constant 0 : i32
    %dma_start3A_183 = tpu.memref_slice %arg13[%dma_start3A_180, %dma_start3A_181, %dma_start3A_182] : memref<4x128x128xf32, #tpu.memory_space<vmem>> -> memref<1x128x128xf32, #tpu.memory_space<vmem>>
    %dma_start3A_184 = tpu.memref_squeeze %dma_start3A_183 : memref<1x128x128xf32, #tpu.memory_space<vmem>> -> memref<128x128xf32, #tpu.memory_space<vmem>>
    %dma_start3A_185 = arith.constant 0 : i32
    %dma_start3A_186 = tpu.memref_slice %arg11[%dma_start3A_179, %dma_start3A_185] : memref<4x128xi32, #tpu.memory_space<vmem>> -> memref<1x128xi32, #tpu.memory_space<vmem>>
    %dma_start3A_187 = tpu.memref_squeeze %dma_start3A_186 : memref<1x128xi32, #tpu.memory_space<vmem>> -> memref<128xi32, #tpu.memory_space<vmem>>
    %dma_start3A_188 = arith.constant 0 : i32
    %dma_start3A_189 = arith.constant 0 : i32
    %dma_start3A_190 = tpu.memref_slice %arg6[%dma_start3A_188, %dma_start3A_189] : memref<1000000x128xf32, #tpu.memory_space<hbm>> -> memref<1000000x128xf32, #tpu.memory_space<hbm>>
    tpu.enqueue_indirect_dma source(%dma_start3A_190 : memref<1000000x128xf32, #tpu.memory_space<hbm>>) target(%dma_start3A_184 : memref<128x128xf32, #tpu.memory_space<vmem>>) offsets(%dma_start3A_187 : memref<128xi32, #tpu.memory_space<vmem>>) semaphore(%arg15 : memref<!tpu.dma_semaphore, #tpu.memory_space<semaphore_mem>>)
    %dma_wait3A_191 = arith.constant 0 : i32
    %dma_wait3A_192 = arith.constant 0 : i32
    %dma_wait3A_193 = arith.constant 0 : i32
    %dma_wait3A_194 = arith.constant 0 : i32
    %dma_wait3A_195 = tpu.memref_slice %arg13[%dma_wait3A_192, %dma_wait3A_193, %dma_wait3A_194] : memref<4x128x128xf32, #tpu.memory_space<vmem>> -> memref<1x128x128xf32, #tpu.memory_space<vmem>>
    %dma_wait3A_196 = tpu.memref_squeeze %dma_wait3A_195 : memref<1x128x128xf32, #tpu.memory_space<vmem>> -> memref<128x128xf32, #tpu.memory_space<vmem>>
    %dma_wait3A_197 = arith.constant 0 : i32
    %dma_wait3A_198 = tpu.memref_slice %arg11[%dma_wait3A_191, %dma_wait3A_197] : memref<4x128xi32, #tpu.memory_space<vmem>> -> memref<1x128xi32, #tpu.memory_space<vmem>>
    %dma_wait3A_199 = tpu.memref_squeeze %dma_wait3A_198 : memref<1x128xi32, #tpu.memory_space<vmem>> -> memref<128xi32, #tpu.memory_space<vmem>>
    %dma_wait3A_200 = arith.constant 0 : i32
    %dma_wait3A_201 = arith.constant 0 : i32
    %dma_wait3A_202 = tpu.memref_slice %arg6[%dma_wait3A_200, %dma_wait3A_201] : memref<1000000x128xf32, #tpu.memory_space<hbm>> -> memref<1000000x128xf32, #tpu.memory_space<hbm>>
    tpu.wait_indirect_dma semaphore(%arg15 : memref<!tpu.dma_semaphore, #tpu.memory_space<semaphore_mem>>) src(%dma_wait3A_202 : memref<1000000x128xf32, #tpu.memory_space<hbm>>) dst(%dma_wait3A_196 : memref<128x128xf32, #tpu.memory_space<vmem>>)
    %dma_wait3A_203 = arith.constant 1 : i32
    %dma_wait3A_204 = arith.constant 1 : i32
    %dma_wait3A_205 = arith.constant 0 : i32
    %dma_wait3A_206 = arith.constant 0 : i32
    %dma_wait3A_207 = tpu.memref_slice %arg13[%dma_wait3A_204, %dma_wait3A_205, %dma_wait3A_206] : memref<4x128x128xf32, #tpu.memory_space<vmem>> -> memref<1x128x128xf32, #tpu.memory_space<vmem>>
    %dma_wait3A_208 = tpu.memref_squeeze %dma_wait3A_207 : memref<1x128x128xf32, #tpu.memory_space<vmem>> -> memref<128x128xf32, #tpu.memory_space<vmem>>
    %dma_wait3A_209 = arith.constant 0 : i32
    %dma_wait3A_210 = tpu.memref_slice %arg11[%dma_wait3A_203, %dma_wait3A_209] : memref<4x128xi32, #tpu.memory_space<vmem>> -> memref<1x128xi32, #tpu.memory_space<vmem>>
    %dma_wait3A_211 = tpu.memref_squeeze %dma_wait3A_210 : memref<1x128xi32, #tpu.memory_space<vmem>> -> memref<128xi32, #tpu.memory_space<vmem>>
    %dma_wait3A_212 = arith.constant 0 : i32
    %dma_wait3A_213 = arith.constant 0 : i32
    %dma_wait3A_214 = tpu.memref_slice %arg6[%dma_wait3A_212, %dma_wait3A_213] : memref<1000000x128xf32, #tpu.memory_space<hbm>> -> memref<1000000x128xf32, #tpu.memory_space<hbm>>
    tpu.wait_indirect_dma semaphore(%arg15 : memref<!tpu.dma_semaphore, #tpu.memory_space<semaphore_mem>>) src(%dma_wait3A_214 : memref<1000000x128xf32, #tpu.memory_space<hbm>>) dst(%dma_wait3A_208 : memref<128x128xf32, #tpu.memory_space<vmem>>)
    %dma_wait3A_215 = arith.constant 2 : i32
    %dma_wait3A_216 = arith.constant 2 : i32
    %dma_wait3A_217 = arith.constant 0 : i32
    %dma_wait3A_218 = arith.constant 0 : i32
    %dma_wait3A_219 = tpu.memref_slice %arg13[%dma_wait3A_216, %dma_wait3A_217, %dma_wait3A_218] : memref<4x128x128xf32, #tpu.memory_space<vmem>> -> memref<1x128x128xf32, #tpu.memory_space<vmem>>
    %dma_wait3A_220 = tpu.memref_squeeze %dma_wait3A_219 : memref<1x128x128xf32, #tpu.memory_space<vmem>> -> memref<128x128xf32, #tpu.memory_space<vmem>>
    %dma_wait3A_221 = arith.constant 0 : i32
    %dma_wait3A_222 = tpu.memref_slice %arg11[%dma_wait3A_215, %dma_wait3A_221] : memref<4x128xi32, #tpu.memory_space<vmem>> -> memref<1x128xi32, #tpu.memory_space<vmem>>
    %dma_wait3A_223 = tpu.memref_squeeze %dma_wait3A_222 : memref<1x128xi32, #tpu.memory_space<vmem>> -> memref<128xi32, #tpu.memory_space<vmem>>
    %dma_wait3A_224 = arith.constant 0 : i32
    %dma_wait3A_225 = arith.constant 0 : i32
    %dma_wait3A_226 = tpu.memref_slice %arg6[%dma_wait3A_224, %dma_wait3A_225] : memref<1000000x128xf32, #tpu.memory_space<hbm>> -> memref<1000000x128xf32, #tpu.memory_space<hbm>>
    tpu.wait_indirect_dma semaphore(%arg15 : memref<!tpu.dma_semaphore, #tpu.memory_space<semaphore_mem>>) src(%dma_wait3A_226 : memref<1000000x128xf32, #tpu.memory_space<hbm>>) dst(%dma_wait3A_220 : memref<128x128xf32, #tpu.memory_space<vmem>>)
    %dma_wait3A_227 = arith.constant 3 : i32
    %dma_wait3A_228 = arith.constant 3 : i32
    %dma_wait3A_229 = arith.constant 0 : i32
    %dma_wait3A_230 = arith.constant 0 : i32
    %dma_wait3A_231 = tpu.memref_slice %arg13[%dma_wait3A_228, %dma_wait3A_229, %dma_wait3A_230] : memref<4x128x128xf32, #tpu.memory_space<vmem>> -> memref<1x128x128xf32, #tpu.memory_space<vmem>>
    %dma_wait3A_232 = tpu.memref_squeeze %dma_wait3A_231 : memref<1x128x128xf32, #tpu.memory_space<vmem>> -> memref<128x128xf32, #tpu.memory_space<vmem>>
    %dma_wait3A_233 = arith.constant 0 : i32
    %dma_wait3A_234 = tpu.memref_slice %arg11[%dma_wait3A_227, %dma_wait3A_233] : memref<4x128xi32, #tpu.memory_space<vmem>> -> memref<1x128xi32, #tpu.memory_space<vmem>>
    %dma_wait3A_235 = tpu.memref_squeeze %dma_wait3A_234 : memref<1x128xi32, #tpu.memory_space<vmem>> -> memref<128xi32, #tpu.memory_space<vmem>>
    %dma_wait3A_236 = arith.constant 0 : i32
    %dma_wait3A_237 = arith.constant 0 : i32
    %dma_wait3A_238 = tpu.memref_slice %arg6[%dma_wait3A_236, %dma_wait3A_237] : memref<1000000x128xf32, #tpu.memory_space<hbm>> -> memref<1000000x128xf32, #tpu.memory_space<hbm>>
    tpu.wait_indirect_dma semaphore(%arg15 : memref<!tpu.dma_semaphore, #tpu.memory_space<semaphore_mem>>) src(%dma_wait3A_238 : memref<1000000x128xf32, #tpu.memory_space<hbm>>) dst(%dma_wait3A_232 : memref<128x128xf32, #tpu.memory_space<vmem>>)
    "tpu.region"() ({
      %run_scoped3A = tpu.sem_alloc : memref<!tpu.dma_semaphore, #tpu.memory_space<semaphore_mem>>
      %dma_start3A_335 = arith.constant 0 : i32
      %dma_start3A_336 = arith.constant 0 : i32
      %dma_start3A_337 = arith.constant 0 : i32
      %dma_start3A_338 = tpu.memref_slice %arg8[%add3A, %dma_start3A_335, %dma_start3A_336, %dma_start3A_337] : memref<32x4x128x128xf32, #tpu.memory_space<hbm>> -> memref<1x4x128x128xf32, #tpu.memory_space<hbm>>
      %dma_start3A_339 = tpu.memref_squeeze %dma_start3A_338 : memref<1x4x128x128xf32, #tpu.memory_space<hbm>> -> memref<4x128x128xf32, #tpu.memory_space<hbm>>
      %dma_start3A_340 = arith.constant 0 : i32
      %dma_start3A_341 = arith.constant 0 : i32
      %dma_start3A_342 = arith.constant 0 : i32
      %dma_start3A_343 = tpu.memref_slice %arg8[%add3A, %dma_start3A_340, %dma_start3A_341, %dma_start3A_342] : memref<32x4x128x128xf32, #tpu.memory_space<hbm>> -> memref<1x4x128x128xf32, #tpu.memory_space<hbm>>
      %dma_start3A_344 = tpu.memref_squeeze %dma_start3A_343 : memref<1x4x128x128xf32, #tpu.memory_space<hbm>> -> memref<4x128x128xf32, #tpu.memory_space<hbm>>
      tpu.enqueue_dma source(%arg13 : memref<4x128x128xf32, #tpu.memory_space<vmem>>) target(%dma_start3A_344 : memref<4x128x128xf32, #tpu.memory_space<hbm>>) target_semaphore(%run_scoped3A : memref<!tpu.dma_semaphore, #tpu.memory_space<semaphore_mem>>)
      %dma_wait3A_345 = arith.constant 0 : i32
      %dma_wait3A_346 = arith.constant 0 : i32
      %dma_wait3A_347 = arith.constant 0 : i32
      %dma_wait3A_348 = tpu.memref_slice %arg8[%add3A, %dma_wait3A_345, %dma_wait3A_346, %dma_wait3A_347] : memref<32x4x128x128xf32, #tpu.memory_space<hbm>> -> memref<1x4x128x128xf32, #tpu.memory_space<hbm>>
      %dma_wait3A_349 = tpu.memref_squeeze %dma_wait3A_348 : memref<1x4x128x128xf32, #tpu.memory_space<hbm>> -> memref<4x128x128xf32, #tpu.memory_space<hbm>>
      %dma_wait3A_350 = arith.constant 0 : i32
      %dma_wait3A_351 = arith.constant 0 : i32
      %dma_wait3A_352 = arith.constant 0 : i32
      %dma_wait3A_353 = tpu.memref_slice %arg8[%add3A, %dma_wait3A_350, %dma_wait3A_351, %dma_wait3A_352] : memref<32x4x128x128xf32, #tpu.memory_space<hbm>> -> memref<1x4x128x128xf32, #tpu.memory_space<hbm>>
      %dma_wait3A_354 = tpu.memref_squeeze %dma_wait3A_353 : memref<1x4x128x128xf32, #tpu.memory_space<hbm>> -> memref<4x128x128xf32, #tpu.memory_space<hbm>>
      tpu.wait_dma2 semaphore(%run_scoped3A : memref<!tpu.dma_semaphore, #tpu.memory_space<semaphore_mem>>) src(%arg13 : memref<4x128x128xf32, #tpu.memory_space<vmem>>) dst(%dma_wait3A_354 : memref<4x128x128xf32, #tpu.memory_space<hbm>>)
      tpu.yield
    }) : () -> ()
    %dma_start3A_239 = arith.constant 0 : i32
    %dma_start3A_240 = arith.constant 0 : i32
    %dma_start3A_241 = arith.constant 0 : i32
    %dma_start3A_242 = arith.constant 0 : i32
    %dma_start3A_243 = tpu.memref_slice %arg13[%dma_start3A_240, %dma_start3A_241, %dma_start3A_242] : memref<4x128x128xf32, #tpu.memory_space<vmem>> -> memref<1x128x128xf32, #tpu.memory_space<vmem>>
    %dma_start3A_244 = tpu.memref_squeeze %dma_start3A_243 : memref<1x128x128xf32, #tpu.memory_space<vmem>> -> memref<128x128xf32, #tpu.memory_space<vmem>>
    %dma_start3A_245 = arith.constant 0 : i32
    %dma_start3A_246 = tpu.memref_slice %arg12[%dma_start3A_239, %dma_start3A_245] : memref<4x128xi32, #tpu.memory_space<vmem>> -> memref<1x128xi32, #tpu.memory_space<vmem>>
    %dma_start3A_247 = tpu.memref_squeeze %dma_start3A_246 : memref<1x128xi32, #tpu.memory_space<vmem>> -> memref<128xi32, #tpu.memory_space<vmem>>
    %dma_start3A_248 = arith.constant 0 : i32
    %dma_start3A_249 = arith.constant 0 : i32
    %dma_start3A_250 = tpu.memref_slice %arg5[%dma_start3A_248, %dma_start3A_249] : memref<1000000x128xf32, #tpu.memory_space<hbm>> -> memref<1000000x128xf32, #tpu.memory_space<hbm>>
    tpu.enqueue_indirect_dma source(%dma_start3A_250 : memref<1000000x128xf32, #tpu.memory_space<hbm>>) target(%dma_start3A_244 : memref<128x128xf32, #tpu.memory_space<vmem>>) offsets(%dma_start3A_247 : memref<128xi32, #tpu.memory_space<vmem>>) semaphore(%arg15 : memref<!tpu.dma_semaphore, #tpu.memory_space<semaphore_mem>>)
    %dma_start3A_251 = arith.constant 1 : i32
    %dma_start3A_252 = arith.constant 1 : i32
    %dma_start3A_253 = arith.constant 0 : i32
    %dma_start3A_254 = arith.constant 0 : i32
    %dma_start3A_255 = tpu.memref_slice %arg13[%dma_start3A_252, %dma_start3A_253, %dma_start3A_254] : memref<4x128x128xf32, #tpu.memory_space<vmem>> -> memref<1x128x128xf32, #tpu.memory_space<vmem>>
    %dma_start3A_256 = tpu.memref_squeeze %dma_start3A_255 : memref<1x128x128xf32, #tpu.memory_space<vmem>> -> memref<128x128xf32, #tpu.memory_space<vmem>>
    %dma_start3A_257 = arith.constant 0 : i32
    %dma_start3A_258 = tpu.memref_slice %arg12[%dma_start3A_251, %dma_start3A_257] : memref<4x128xi32, #tpu.memory_space<vmem>> -> memref<1x128xi32, #tpu.memory_space<vmem>>
    %dma_start3A_259 = tpu.memref_squeeze %dma_start3A_258 : memref<1x128xi32, #tpu.memory_space<vmem>> -> memref<128xi32, #tpu.memory_space<vmem>>
    %dma_start3A_260 = arith.constant 0 : i32
    %dma_start3A_261 = arith.constant 0 : i32
    %dma_start3A_262 = tpu.memref_slice %arg5[%dma_start3A_260, %dma_start3A_261] : memref<1000000x128xf32, #tpu.memory_space<hbm>> -> memref<1000000x128xf32, #tpu.memory_space<hbm>>
    tpu.enqueue_indirect_dma source(%dma_start3A_262 : memref<1000000x128xf32, #tpu.memory_space<hbm>>) target(%dma_start3A_256 : memref<128x128xf32, #tpu.memory_space<vmem>>) offsets(%dma_start3A_259 : memref<128xi32, #tpu.memory_space<vmem>>) semaphore(%arg15 : memref<!tpu.dma_semaphore, #tpu.memory_space<semaphore_mem>>)
    %dma_start3A_263 = arith.constant 2 : i32
    %dma_start3A_264 = arith.constant 2 : i32
    %dma_start3A_265 = arith.constant 0 : i32
    %dma_start3A_266 = arith.constant 0 : i32
    %dma_start3A_267 = tpu.memref_slice %arg13[%dma_start3A_264, %dma_start3A_265, %dma_start3A_266] : memref<4x128x128xf32, #tpu.memory_space<vmem>> -> memref<1x128x128xf32, #tpu.memory_space<vmem>>
    %dma_start3A_268 = tpu.memref_squeeze %dma_start3A_267 : memref<1x128x128xf32, #tpu.memory_space<vmem>> -> memref<128x128xf32, #tpu.memory_space<vmem>>
    %dma_start3A_269 = arith.constant 0 : i32
    %dma_start3A_270 = tpu.memref_slice %arg12[%dma_start3A_263, %dma_start3A_269] : memref<4x128xi32, #tpu.memory_space<vmem>> -> memref<1x128xi32, #tpu.memory_space<vmem>>
    %dma_start3A_271 = tpu.memref_squeeze %dma_start3A_270 : memref<1x128xi32, #tpu.memory_space<vmem>> -> memref<128xi32, #tpu.memory_space<vmem>>
    %dma_start3A_272 = arith.constant 0 : i32
    %dma_start3A_273 = arith.constant 0 : i32
    %dma_start3A_274 = tpu.memref_slice %arg5[%dma_start3A_272, %dma_start3A_273] : memref<1000000x128xf32, #tpu.memory_space<hbm>> -> memref<1000000x128xf32, #tpu.memory_space<hbm>>
    tpu.enqueue_indirect_dma source(%dma_start3A_274 : memref<1000000x128xf32, #tpu.memory_space<hbm>>) target(%dma_start3A_268 : memref<128x128xf32, #tpu.memory_space<vmem>>) offsets(%dma_start3A_271 : memref<128xi32, #tpu.memory_space<vmem>>) semaphore(%arg15 : memref<!tpu.dma_semaphore, #tpu.memory_space<semaphore_mem>>)
    %dma_start3A_275 = arith.constant 3 : i32
    %dma_start3A_276 = arith.constant 3 : i32
    %dma_start3A_277 = arith.constant 0 : i32
    %dma_start3A_278 = arith.constant 0 : i32
    %dma_start3A_279 = tpu.memref_slice %arg13[%dma_start3A_276, %dma_start3A_277, %dma_start3A_278] : memref<4x128x128xf32, #tpu.memory_space<vmem>> -> memref<1x128x128xf32, #tpu.memory_space<vmem>>
    %dma_start3A_280 = tpu.memref_squeeze %dma_start3A_279 : memref<1x128x128xf32, #tpu.memory_space<vmem>> -> memref<128x128xf32, #tpu.memory_space<vmem>>
    %dma_start3A_281 = arith.constant 0 : i32
    %dma_start3A_282 = tpu.memref_slice %arg12[%dma_start3A_275, %dma_start3A_281] : memref<4x128xi32, #tpu.memory_space<vmem>> -> memref<1x128xi32, #tpu.memory_space<vmem>>
    %dma_start3A_283 = tpu.memref_squeeze %dma_start3A_282 : memref<1x128xi32, #tpu.memory_space<vmem>> -> memref<128xi32, #tpu.memory_space<vmem>>
    %dma_start3A_284 = arith.constant 0 : i32
    %dma_start3A_285 = arith.constant 0 : i32
    %dma_start3A_286 = tpu.memref_slice %arg5[%dma_start3A_284, %dma_start3A_285] : memref<1000000x128xf32, #tpu.memory_space<hbm>> -> memref<1000000x128xf32, #tpu.memory_space<hbm>>
    tpu.enqueue_indirect_dma source(%dma_start3A_286 : memref<1000000x128xf32, #tpu.memory_space<hbm>>) target(%dma_start3A_280 : memref<128x128xf32, #tpu.memory_space<vmem>>) offsets(%dma_start3A_283 : memref<128xi32, #tpu.memory_space<vmem>>) semaphore(%arg15 : memref<!tpu.dma_semaphore, #tpu.memory_space<semaphore_mem>>)
    %dma_wait3A_287 = arith.constant 0 : i32
    %dma_wait3A_288 = arith.constant 0 : i32
    %dma_wait3A_289 = arith.constant 0 : i32
    %dma_wait3A_290 = arith.constant 0 : i32
    %dma_wait3A_291 = tpu.memref_slice %arg13[%dma_wait3A_288, %dma_wait3A_289, %dma_wait3A_290] : memref<4x128x128xf32, #tpu.memory_space<vmem>> -> memref<1x128x128xf32, #tpu.memory_space<vmem>>
    %dma_wait3A_292 = tpu.memref_squeeze %dma_wait3A_291 : memref<1x128x128xf32, #tpu.memory_space<vmem>> -> memref<128x128xf32, #tpu.memory_space<vmem>>
    %dma_wait3A_293 = arith.constant 0 : i32
    %dma_wait3A_294 = tpu.memref_slice %arg12[%dma_wait3A_287, %dma_wait3A_293] : memref<4x128xi32, #tpu.memory_space<vmem>> -> memref<1x128xi32, #tpu.memory_space<vmem>>
    %dma_wait3A_295 = tpu.memref_squeeze %dma_wait3A_294 : memref<1x128xi32, #tpu.memory_space<vmem>> -> memref<128xi32, #tpu.memory_space<vmem>>
    %dma_wait3A_296 = arith.constant 0 : i32
    %dma_wait3A_297 = arith.constant 0 : i32
    %dma_wait3A_298 = tpu.memref_slice %arg5[%dma_wait3A_296, %dma_wait3A_297] : memref<1000000x128xf32, #tpu.memory_space<hbm>> -> memref<1000000x128xf32, #tpu.memory_space<hbm>>
    tpu.wait_indirect_dma semaphore(%arg15 : memref<!tpu.dma_semaphore, #tpu.memory_space<semaphore_mem>>) src(%dma_wait3A_298 : memref<1000000x128xf32, #tpu.memory_space<hbm>>) dst(%dma_wait3A_292 : memref<128x128xf32, #tpu.memory_space<vmem>>)
    %dma_wait3A_299 = arith.constant 1 : i32
    %dma_wait3A_300 = arith.constant 1 : i32
    %dma_wait3A_301 = arith.constant 0 : i32
    %dma_wait3A_302 = arith.constant 0 : i32
    %dma_wait3A_303 = tpu.memref_slice %arg13[%dma_wait3A_300, %dma_wait3A_301, %dma_wait3A_302] : memref<4x128x128xf32, #tpu.memory_space<vmem>> -> memref<1x128x128xf32, #tpu.memory_space<vmem>>
    %dma_wait3A_304 = tpu.memref_squeeze %dma_wait3A_303 : memref<1x128x128xf32, #tpu.memory_space<vmem>> -> memref<128x128xf32, #tpu.memory_space<vmem>>
    %dma_wait3A_305 = arith.constant 0 : i32
    %dma_wait3A_306 = tpu.memref_slice %arg12[%dma_wait3A_299, %dma_wait3A_305] : memref<4x128xi32, #tpu.memory_space<vmem>> -> memref<1x128xi32, #tpu.memory_space<vmem>>
    %dma_wait3A_307 = tpu.memref_squeeze %dma_wait3A_306 : memref<1x128xi32, #tpu.memory_space<vmem>> -> memref<128xi32, #tpu.memory_space<vmem>>
    %dma_wait3A_308 = arith.constant 0 : i32
    %dma_wait3A_309 = arith.constant 0 : i32
    %dma_wait3A_310 = tpu.memref_slice %arg5[%dma_wait3A_308, %dma_wait3A_309] : memref<1000000x128xf32, #tpu.memory_space<hbm>> -> memref<1000000x128xf32, #tpu.memory_space<hbm>>
    tpu.wait_indirect_dma semaphore(%arg15 : memref<!tpu.dma_semaphore, #tpu.memory_space<semaphore_mem>>) src(%dma_wait3A_310 : memref<1000000x128xf32, #tpu.memory_space<hbm>>) dst(%dma_wait3A_304 : memref<128x128xf32, #tpu.memory_space<vmem>>)
    %dma_wait3A_311 = arith.constant 2 : i32
    %dma_wait3A_312 = arith.constant 2 : i32
    %dma_wait3A_313 = arith.constant 0 : i32
    %dma_wait3A_314 = arith.constant 0 : i32
    %dma_wait3A_315 = tpu.memref_slice %arg13[%dma_wait3A_312, %dma_wait3A_313, %dma_wait3A_314] : memref<4x128x128xf32, #tpu.memory_space<vmem>> -> memref<1x128x128xf32, #tpu.memory_space<vmem>>
    %dma_wait3A_316 = tpu.memref_squeeze %dma_wait3A_315 : memref<1x128x128xf32, #tpu.memory_space<vmem>> -> memref<128x128xf32, #tpu.memory_space<vmem>>
    %dma_wait3A_317 = arith.constant 0 : i32
    %dma_wait3A_318 = tpu.memref_slice %arg12[%dma_wait3A_311, %dma_wait3A_317] : memref<4x128xi32, #tpu.memory_space<vmem>> -> memref<1x128xi32, #tpu.memory_space<vmem>>
    %dma_wait3A_319 = tpu.memref_squeeze %dma_wait3A_318 : memref<1x128xi32, #tpu.memory_space<vmem>> -> memref<128xi32, #tpu.memory_space<vmem>>
    %dma_wait3A_320 = arith.constant 0 : i32
    %dma_wait3A_321 = arith.constant 0 : i32
    %dma_wait3A_322 = tpu.memref_slice %arg5[%dma_wait3A_320, %dma_wait3A_321] : memref<1000000x128xf32, #tpu.memory_space<hbm>> -> memref<1000000x128xf32, #tpu.memory_space<hbm>>
    tpu.wait_indirect_dma semaphore(%arg15 : memref<!tpu.dma_semaphore, #tpu.memory_space<semaphore_mem>>) src(%dma_wait3A_322 : memref<1000000x128xf32, #tpu.memory_space<hbm>>) dst(%dma_wait3A_316 : memref<128x128xf32, #tpu.memory_space<vmem>>)
    %dma_wait3A_323 = arith.constant 3 : i32
    %dma_wait3A_324 = arith.constant 3 : i32
    %dma_wait3A_325 = arith.constant 0 : i32
    %dma_wait3A_326 = arith.constant 0 : i32
    %dma_wait3A_327 = tpu.memref_slice %arg13[%dma_wait3A_324, %dma_wait3A_325, %dma_wait3A_326] : memref<4x128x128xf32, #tpu.memory_space<vmem>> -> memref<1x128x128xf32, #tpu.memory_space<vmem>>
    %dma_wait3A_328 = tpu.memref_squeeze %dma_wait3A_327 : memref<1x128x128xf32, #tpu.memory_space<vmem>> -> memref<128x128xf32, #tpu.memory_space<vmem>>
    %dma_wait3A_329 = arith.constant 0 : i32
    %dma_wait3A_330 = tpu.memref_slice %arg12[%dma_wait3A_323, %dma_wait3A_329] : memref<4x128xi32, #tpu.memory_space<vmem>> -> memref<1x128xi32, #tpu.memory_space<vmem>>
    %dma_wait3A_331 = tpu.memref_squeeze %dma_wait3A_330 : memref<1x128xi32, #tpu.memory_space<vmem>> -> memref<128xi32, #tpu.memory_space<vmem>>
    %dma_wait3A_332 = arith.constant 0 : i32
    %dma_wait3A_333 = arith.constant 0 : i32
    %dma_wait3A_334 = tpu.memref_slice %arg5[%dma_wait3A_332, %dma_wait3A_333] : memref<1000000x128xf32, #tpu.memory_space<hbm>> -> memref<1000000x128xf32, #tpu.memory_space<hbm>>
    tpu.wait_indirect_dma semaphore(%arg15 : memref<!tpu.dma_semaphore, #tpu.memory_space<semaphore_mem>>) src(%dma_wait3A_334 : memref<1000000x128xf32, #tpu.memory_space<hbm>>) dst(%dma_wait3A_328 : memref<128x128xf32, #tpu.memory_space<vmem>>)
    "tpu.region"() ({
      %run_scoped3A = tpu.sem_alloc : memref<!tpu.dma_semaphore, #tpu.memory_space<semaphore_mem>>
      %dma_start3A_335 = arith.constant 0 : i32
      %dma_start3A_336 = arith.constant 0 : i32
      %dma_start3A_337 = arith.constant 0 : i32
      %dma_start3A_338 = tpu.memref_slice %arg9[%add3A, %dma_start3A_335, %dma_start3A_336, %dma_start3A_337] : memref<32x4x128x128xf32, #tpu.memory_space<hbm>> -> memref<1x4x128x128xf32, #tpu.memory_space<hbm>>
      %dma_start3A_339 = tpu.memref_squeeze %dma_start3A_338 : memref<1x4x128x128xf32, #tpu.memory_space<hbm>> -> memref<4x128x128xf32, #tpu.memory_space<hbm>>
      %dma_start3A_340 = arith.constant 0 : i32
      %dma_start3A_341 = arith.constant 0 : i32
      %dma_start3A_342 = arith.constant 0 : i32
      %dma_start3A_343 = tpu.memref_slice %arg9[%add3A, %dma_start3A_340, %dma_start3A_341, %dma_start3A_342] : memref<32x4x128x128xf32, #tpu.memory_space<hbm>> -> memref<1x4x128x128xf32, #tpu.memory_space<hbm>>
      %dma_start3A_344 = tpu.memref_squeeze %dma_start3A_343 : memref<1x4x128x128xf32, #tpu.memory_space<hbm>> -> memref<4x128x128xf32, #tpu.memory_space<hbm>>
      tpu.enqueue_dma source(%arg13 : memref<4x128x128xf32, #tpu.memory_space<vmem>>) target(%dma_start3A_344 : memref<4x128x128xf32, #tpu.memory_space<hbm>>) target_semaphore(%run_scoped3A : memref<!tpu.dma_semaphore, #tpu.memory_space<semaphore_mem>>)
      %dma_wait3A_345 = arith.constant 0 : i32
      %dma_wait3A_346 = arith.constant 0 : i32
      %dma_wait3A_347 = arith.constant 0 : i32
      %dma_wait3A_348 = tpu.memref_slice %arg9[%add3A, %dma_wait3A_345, %dma_wait3A_346, %dma_wait3A_347] : memref<32x4x128x128xf32, #tpu.memory_space<hbm>> -> memref<1x4x128x128xf32, #tpu.memory_space<hbm>>
      %dma_wait3A_349 = tpu.memref_squeeze %dma_wait3A_348 : memref<1x4x128x128xf32, #tpu.memory_space<hbm>> -> memref<4x128x128xf32, #tpu.memory_space<hbm>>
      %dma_wait3A_350 = arith.constant 0 : i32
      %dma_wait3A_351 = arith.constant 0 : i32
      %dma_wait3A_352 = arith.constant 0 : i32
      %dma_wait3A_353 = tpu.memref_slice %arg9[%add3A, %dma_wait3A_350, %dma_wait3A_351, %dma_wait3A_352] : memref<32x4x128x128xf32, #tpu.memory_space<hbm>> -> memref<1x4x128x128xf32, #tpu.memory_space<hbm>>
      %dma_wait3A_354 = tpu.memref_squeeze %dma_wait3A_353 : memref<1x4x128x128xf32, #tpu.memory_space<hbm>> -> memref<4x128x128xf32, #tpu.memory_space<hbm>>
      tpu.wait_dma2 semaphore(%run_scoped3A : memref<!tpu.dma_semaphore, #tpu.memory_space<semaphore_mem>>) src(%arg13 : memref<4x128x128xf32, #tpu.memory_space<vmem>>) dst(%dma_wait3A_354 : memref<4x128x128xf32, #tpu.memory_space<hbm>>)
      tpu.yield
    }) : () -> ()
    return
  }
}

</mosaic_0001>

<sc_bundles>
// kernel: kernel.3.cloned.1.call-start
scs
__scs_entry_jumppad:
0x0: {  	(pc) =	sbr.rel $0x88, $3  }
0x1: {  	(tag) =	ssettag $0x0;
	lr =	simm.s32 $0x1  }
0x2: {  	[smem:$0x3F9E] =	sst lr;
	_ =	strace $0xD0000000  }
0x3: {  	_ = 	snop  }
0x4: {  	_ = 	snop  }
0x5: {  	_ = 	snop  }
0x6: {  	_ = 	snop  }
0x7: {  	_ = 	snop  }
__scs_overlays_trampoline_lowered:
0x8: {  	[smem:$0x3FAD] =	sst s0  }
0x9: {  	[smem:$0x3FAE] =	sst s1  }
0xa: {  	[smem:$0x3FAF] =	sst s2  }
0xb: {  	[smem:$0x3FB0] =	sst s3  }
0xc: {  	[smem:$0x3FB1] =	sst s4  }
0xd: {  	[smem:$0x3FB2] =	sst s5  }
0xe: {  	[smem:$0x3FB3] =	sst s6  }
0xf: {  	[smem:$0x3FB4] =	sst s7  }
0x10: {  	[smem:$0x3FB5] =	sst s8  }
0x11: {  	[smem:$0x3FB6] =	sst s9;
	s0 =	simm.s32 @!p0 $0x0  }
0x12: {  	s1 =	sld [smem:$0x3F9C];
	s0 =	simm.s32 @p0 $0x1  }
0x13: {  	[smem:$0x3FB7] =	sst s0;
	s0 =	simm.s32 @!p1 $0x0  }
0x14: {  	s2 =	sld [smem:$0x3F9B];
	s0 =	simm.s32 @p1 $0x1  }
0x15: {  	[smem:$0x3FB8] =	sst s0;
	s0 =	simm.s32 @!p2 $0x0  }
0x16: {  	s3 =	sld [smem:$0x3FDB];
	s0 =	simm.s32 @p2 $0x1  }
0x17: {  	s4 =	simm.s32 $0x1BF5;
	[smem:$0x3FBA] =	sst s0  }
0x18: {  	s0 =	sld [smem:$0x3F9D];
	_ =	swait.ge [sflag:s4], $0x0  }
0x19: {  	s7 =	sld [smem:$0x3F9E]  }
0x1a: {  	s8 =	sadd.s32 $0xFFFFE003, lr  }
0x1b: {  	s9 =	sadd.s32 $0xFFFFFEF7, lr;
	s5 =	simm.s32 $0xFFFFFFFF;
	p2 =	slt.u32 s8, $0xFFFFF086  }
0x1c: {  	p1 =	slt.u32 s9, $0xF7A;
	s5 =	simm.s32 @!p2 $0x0  }
0x1d: {  	s5 =	simm.s32 @p1 $0x1;
	p0 =	seq.s32 s7, s2  }
0x1e: {  	s7 =	smul.u32 @!p0 $0xF7A, s2;
	p2 =	seq.s32 @!p0 s5, $0x0  }
0x1f: {  	s9 =	smul.u32 $0xF7A, s1;
	s8 =	simm.s32 @!p0 $0x1BF5;
	p2 =	por !p2, p0  }
0x20: {  	[sflag:s8] =	ssyncset.s32 @!p0 $0xFFFFF086;
	s6 =	sadd.s32 @!p0 s3, s7;
	s7 =	simm.s32 @!p0 $0x108  }
0x21: {  	s3 =	sadd.s32 s3, s9;
	s6 =	sadd.s32 @!p0 $0x88, s6;
	s7 =	simm.s32 @p2 $0x1082  }
0x22: {  	[simem:s7], [sflag:s8] =	dma.local @!p0 [hbm:s6], $0xF7A  }
0x23: {  	s9 =	sor.u32 $0xD0000000, s2;
	s6 =	simm.s32 $0x108;
	_ =	swait.ge @!p0 [sflag:s8], $0x0  }
0x24: {  	s3 =	sadd.s32 $0x88, s3;
	s6 =	simm.s32 @!p1 $0x1082;
	[sflag:s4] =	ssyncset.s32 $0xFFFFF086  }
0x25: {  	[simem:s6], [sflag:s4] =	dma.local [hbm:s3], $0xF7A  }
0x26: {  	[smem:$0x3F9E] =	sst s1;
	(tag) =	ssettag s2;
	_ =	strace s9  }
0x27: {  	s1 =	sld [smem:$0x3FAE]  }
0x28: {  	s2 =	sld [smem:$0x3FAF]  }
0x29: {  	s4 =	sld [smem:$0x3FB1]  }
0x2a: {  	p0 =	seq.s32 s5, $0x0;
	s5 =	sld [smem:$0x3FB2]  }
0x2b: {  	s6 =	sld [smem:$0x3FB3]  }
0x2c: {  	s7 =	sld [smem:$0x3FB4]  }
0x2d: {  	s3 =	simm.s32 $0x108;
	s8 =	sld [smem:$0x3FB5]  }
0x2e: {  	s3 =	simm.s32 @!p0 $0x1082;
	s9 =	sld [smem:$0x3FB6]  }
0x2f: {  	lr =	sadd.s32 s0, s3;
	s0 =	sld [smem:$0x3FAD]  }
0x30: {  	s3 =	sld [smem:$0x3FB0]  }
0x31: {  	[smem:$0x3FB9] =	sst s10  }
0x32: {  	s10 =	sld [smem:$0x3FB7];
	_ =	sdelay $0x3  }
0x33: {  	p0 =	seq.s32 s10, $0x1;
	s10 =	sld [smem:$0x3FB9];
	_ =	sdelay $0x3  }
0x34: {  	[smem:$0x3FB9] =	sst s10  }
0x35: {  	s10 =	sld [smem:$0x3FB8];
	_ =	sdelay $0x3  }
0x36: {  	p1 =	seq.s32 s10, $0x1;
	s10 =	sld [smem:$0x3FB9];
	_ =	sdelay $0x3  }
0x37: {  	[smem:$0x3FB9] =	sst s10  }
0x38: {  	s10 =	sld [smem:$0x3FBA]  }
0x39: {  	_ = 	snop;
	(pc) =	sbr.ind lr, $3  }
0x3a: {  	_ = 	snop  }
0x3b: {  	_ = 	snop  }
0x3c: {  	p2 =	seq.s32 s10, $0x1;
	s10 =	sld [smem:$0x3FB9]  }
0x3d: {  	_ =	shalt  }
0x3e: {  	_ =	shalt  }
0x3f: {  	_ =	shalt  }
0x40: {  	_ =	shalt  }
0x41: {  	_ =	shalt  }
0x42: {  	_ =	shalt  }
0x43: {  	_ =	shalt  }
0x44: {  	_ =	shalt  }
0x45: {  	_ =	shalt  }
0x46: {  	_ =	shalt  }
0x47: {  	_ =	shalt  }
0x48: {  	_ =	shalt  }
0x49: {  	_ =	shalt  }
0x4a: {  	_ =	shalt  }
0x4b: {  	_ =	shalt  }
0x4c: {  	_ =	shalt  }
0x4d: {  	_ =	shalt  }
0x4e: {  	_ =	shalt  }
0x4f: {  	_ =	shalt  }
0x50: {  	_ =	shalt  }
0x51: {  	_ =	shalt  }
0x52: {  	_ =	shalt  }
0x53: {  	_ =	shalt  }
0x54: {  	_ =	shalt  }
0x55: {  	_ =	shalt  }
0x56: {  	_ =	shalt  }
0x57: {  	_ =	shalt  }
0x58: {  	_ =	shalt  }
0x59: {  	_ =	shalt  }
0x5a: {  	_ =	shalt  }
0x5b: {  	_ =	shalt  }
0x5c: {  	_ =	shalt  }
0x5d: {  	_ =	shalt  }
0x5e: {  	_ =	shalt  }
0x5f: {  	_ =	shalt  }
0x60: {  	_ =	shalt  }
0x61: {  	_ =	shalt  }
0x62: {  	_ =	shalt  }
0x63: {  	_ =	shalt  }
0x64: {  	_ =	shalt  }
0x65: {  	_ =	shalt  }
0x66: {  	_ =	shalt  }
0x67: {  	_ =	shalt  }
0x68: {  	_ =	shalt  }
0x69: {  	_ =	shalt  }
0x6a: {  	_ =	shalt  }
0x6b: {  	_ =	shalt  }
0x6c: {  	_ =	shalt  }
0x6d: {  	_ =	shalt  }
0x6e: {  	_ =	shalt  }
0x6f: {  	_ =	shalt  }
0x70: {  	_ =	shalt  }
0x71: {  	_ =	shalt  }
0x72: {  	_ =	shalt  }
0x73: {  	_ =	shalt  }
0x74: {  	_ =	shalt  }
0x75: {  	_ =	shalt  }
0x76: {  	_ =	shalt  }
0x77: {  	_ =	shalt  }
0x78: {  	_ =	shalt  }
0x79: {  	_ =	shalt  }
0x7a: {  	_ =	shalt  }
0x7b: {  	_ =	shalt  }
0x7c: {  	_ =	shalt  }
0x7d: {  	_ =	shalt  }
0x7e: {  	_ =	shalt  }
0x7f: {  	_ =	shalt  }
0x80: {  	_ =	shalt  }
0x81: {  	_ =	shalt  }
0x82: {  	_ =	shalt  }
0x83: {  	_ =	shalt  }
0x84: {  	_ =	shalt  }
0x85: {  	_ =	shalt  }
0x86: {  	_ =	shalt  }
0x87: {  	_ =	shalt  }
.Lfunc_end0:
.L_simem_size_0:
called_computation_lowered:
.L_overlay_start_0:
0x88: {  	s2 =	sld [smem:$0x3FD9]  }
0x89: {  	s3 =	sld [smem:$0x3FFE];
	_ =	sdelay $0x1  }
0x8a: {  	s1 =	srdreg.scid  }
0x8b: {  	s0 =	sand.u32 $0x1, s1  }
0x8c: {  	s14 =	sshll.u32 s0, $0xA;
	s2 =	sadd.s32 s3, s2  }
0x8d: {  	s2 =	sadd.s32 s2, s14  }
0x8e: {  	[smem:$0x3FC5] =	sst s2  }
0x8f: {  	_ = 	snop  }
0x90: {  	s2 =	sld [smem:$0x3FD0];
	_ =	sdelay $0x2  }
0x91: {  	s15 =	simm.s32 $0xA;
	s4 =	simm.s32 $0x10  }
0x92: {  	[smem:s4], [sflag:s15] =	dma.local [hbm:s2], $0x1  }
0x93: {  	_ =	swait.eq [sflag:s15], $0x1  }
0x94: {  	s16 =	sld [smem:$0x10];
	[sflag:s15] =	ssyncset.done $0x0  }
0x95: {  	s17 =	sld [smem:$0x11];
	[sflag:s15] =	ssyncadd.s32 $0xFFFFFFFF  }
0x96: {  	s18 =	sld [smem:$0x12];
	(tm) =	ssettm $0x1  }
0x97: {  	s5 =	sld [smem:$0x3FFB];
	_ =	sdelay $0x3  }
0x98: {  	_ =	strace s5  }
0x99: {  	s5 =	sld [smem:$0x3FFC];
	_ =	sdelay $0x3  }
0x9a: {  	_ =	strace s5  }
0x9b: {  	s5 =	sld [smem:$0x3FFD];
	_ =	sdelay $0x3  }
0x9c: {  	_ =	strace s5  }
0x9d: {  	_ =	strace $0x8FFFFFFF  }
0x9e: {  	s19 =	sld [smem:$0x3FDB];
	_ =	sdelay $0x1  }
0x9f: {  	s6 =	simm.s32 $_scs_section_size  }
0xa0: {  	s7 =	simm.s32 $_size__tile_overlayer_lowered;
	s8 =	simm.s32 $_tile_overlayer_lowered  }
0xa1: {  	s22 =	simm.s32 $0x1BFF;
	s21 =	sshll.u32 s8, $0x1;
	s5 =	sadd.s32 s6, s19  }
0xa2: {  	s9 =	simm.s32 $0x0;
	s20 =	sshll.u32 s7, $0x1;
	s7 =	sadd.s32 s21, s5  }
0xa3: {  	[timem:s9], [sflag:s22] =	dma.local [hbm:s7], s20  }
0xa4: {  	_ =	swait.ge [sflag:s22], s20  }
0xa5: {  	s6 =	ssub.s32 $0x0, s20;
	[sflag:s22] =	ssyncset.done $0x0  }
0xa6: {  	[sflag:s22] =	ssyncadd.s32 s6;
	_ =	sdelay $0x1  }
0xa7: {  	s23 =	simm.s32 $0x1B8B  }
0xa8: {  	_ =	swait.ge [sflag:s23], $0x1  }
0xa9: {  	[sflag:s23] =	ssyncset.done $0x0  }
0xaa: {  	s25 =	simm.s32 $0x1B8E;
	s24 =	sld [smem:$0x3FFE];
	[sflag:s23] =	ssyncadd.s32 $0xFFFFFFFF  }
0xab: {  	s26 =	simm.s32 $execute0_lowered;
	[smem:$0x3FD2] =	sst s25  }
0xac: {  	s7 =	sshll.u32 s26, $0x1;
	_ =	strace $0x80000046;
	[dreg:$0x1] =	wrdreg $0xFFFFFFFF  }
0xad: {  	s28 =	simm.s32 $_size_execute0_lowered;
	s5 =	sadd.s32 s5, s7;
	[dreg:$0x0] =	wrdreg $0x0  }
0xae: {  	s7 =	sshll.u32 s28, $0x1;
	[dreg:$0x2] =	wrdreg s5  }
0xaf: {  	[dreg:$0x3] =	wrdreg s7  }
0xb0: {  	[dreg:$0x4] =	wrdreg $0xC0  }
0xb1: {  	_ =	task [dreg:s9], $0x5FFFF  }
0xb2: {  	[dreg:$0x1] =	wrdreg $0xFFFFFFFF  }
0xb3: {  	[dreg:$0x0] =	wrdreg $0x60  }
0xb4: {  	[dreg:$0x2] =	wrdreg s18  }
0xb5: {  	[dreg:$0x3] =	wrdreg s16  }
0xb6: {  	[dreg:$0x4] =	wrdreg s17  }
0xb7: {  	[dreg:$0x5] =	wrdreg s24  }
0xb8: {  	[dreg:$0x6] =	wrdreg $0x9  }
0xb9: {  	_ =	task.clear_ibuf [dreg:s9], $0x7FFFF;
	_ =	strace $0x90000046  }
0xba: {  	s29 =	simm.s32 $0x9;
	_ =	strace $0x80000048  }
0xbb: {  	_ =	swait.ge [sflag:s29], $0x1  }
0xbc: {  	[sflag:s29] =	ssyncadd.s32 $0xFFFFFFFF  }
0xbd: {  	_ =	strace $0x90000048  }
0xbe: {  	_ =	sfence  }
0xbf: {  	s30 =	sld [smem:$0x0];
	_ =	sdelay $0x2  }
0xc0: {  	s31 =	sshll.u32 s1, $0xD;
	s1 =	sshrl.u32 s1, $0x2  }
0xc1: {  	s3 =	sand.u32 $0x4000, s31;
	s1 =	sadd.s32 s1, s30  }
0xc2: {  	s0 =	sor.u32 s3, s0;
	s1 =	sshll.u32 s1, $0x11  }
0xc3: {  	s0 =	sor.u32 s1, s0  }
0xc4: {  	s0 =	sadd.s32 $0x8F2B, s0  }
0xc5: {  	[sflag:s0] =	ssyncadd.remote.s32 $0x1  }
0xc6: {  	_ =	sfence.sel $0xFFFF  }
0xc7: {  	[dreg:$0x0] =	wrdreg $0xFFFFFFFF;
	(pc) =	sbr.abs _section_cstart, $3  }
0xc8: {  	[dreg:$0x1] =	wrdreg $0xFFFFFFFF  }
0xc9: {  	_ =	task.clear_ibuf [dreg:s9], $0x2FFFF;
	_ =	strace $0x9FFFFFFF  }
0xca: {  	(tm) =	ssettm $0x7FFFFFFF  }
0xcb: {  	_ =	shalt  }
tec
execute0_lowered:
.L_overlay_start_1:
0x0: {  	(tag) =	ssettag $0x1  }
0x1: {  	s3 =	rddreg [dreg:$0x0]  }
0x2: {  	s4 =	rddreg [dreg:$0x1]  }
0x3: {  	s1 =	srdreg.scid;
	s0 =	stileid.u32  }
0x4: {  	s6 =	rddreg [dreg:$0x2];
	s29 =	sand.u32 $0x1, s1;
	s5 =	sshll.u32 s0, $0x1  }
0x5: {  	s20 =	rddreg [dreg:$0x3];
	s2 =	simm.s32 $0x0;
	s18 =	sor.u32 s29, s5  }
0x6: {  	[smem:$0x7FF] =	sst s2;
	s7 =	sshll.u32 s18, $0x6  }
0x7: {  	s1 =	rddreg [dreg:$0x4];
	_ =	strace $0x80000047;
	s3 =	sadd.s32 s3, s7  }
0x8: {  	[tilespmem:s2], [sflag:$0x1] =	stream.linear.gather [hbm4b:s3+s2], $0x200, $0x38;
	[tilespmem:$0x10600] =	vst v63  }
0x9: {  	s5 =	simm.s32 $0x200;
	s4 =	sadd.s32 s4, s7  }
0xa: {  	[tilespmem:s5], [sflag:$0x1] =	stream.linear.gather [hbm4b:s4+s2], $0x200, $0x38;
	[tilespmem:$0x10600] =	vst v63  }
0xb: {  	s8 =	simm.s32 $0x1;
	s6 =	sadd.s32 s6, s7;
	s7 =	simm.s32 $0x400  }
0xc: {  	[tilespmem:s7], [sflag:$0x1] =	stream.linear.gather [hbm4b:s6+s2], $0x200, $0x38;
	[tilespmem:$0x10600] =	vst v63  }
0xd: {  	_ =	swait.ge [sflag:s8], $0x200  }
0xe: {  	[sflag:s8] =	ssyncset.done $0x0  }
0xf: {  	[sflag:s8] =	ssyncadd.s32 $0xFFFFFE00  }
0x10: {  	_ =	swait.ge [sflag:s8], $0x200  }
0x11: {  	[sflag:s8] =	ssyncset.done $0x0  }
0x12: {  	[sflag:s8] =	ssyncadd.s32 $0xFFFFFE00  }
0x13: {  	_ =	swait.ge [sflag:s8], $0x200  }
0x14: {  	s10 =	simm.s32 $0x80;
	[sflag:s8] =	ssyncset.done $0x0  }
0x15: {  	s11 =	simm.s32 $0x600;
	s9 =	sadd.s32 $0x1E85200, s20;
	[sflag:s8] =	ssyncadd.s32 $0xFFFFFE00  }
0x16: {  	[tilespmem:s11], [sflag:$0x2] =	stream.indirect.gather [hbm4b:s9+s10], $0x80, s2, s10, $0xb8;
	[tilespmem:$0x10600] =	vst v63  }
0x17: {  	s12 =	simm.s32 $0x4600  }
0x18: {  	[tilespmem:s12], [sflag:$0x2] =	stream.indirect.gather [hbm4b:s9+s10], $0x80, s10, s10, $0xb8;
	[tilespmem:$0x10600] =	vst v63  }
0x19: {  	s13 =	simm.s32 $0x100;
	s14 =	simm.s32 $0x8600  }
0x1a: {  	[tilespmem:s14], [sflag:$0x2] =	stream.indirect.gather [hbm4b:s9+s10], $0x80, s13, s10, $0xb8;
	[tilespmem:$0x10600] =	vst v63  }
0x1b: {  	s15 =	simm.s32 $0x180;
	s16 =	simm.s32 $0xC600;
	s17 =	simm.s32 $0x2  }
0x1c: {  	[tilespmem:s16], [sflag:$0x2] =	stream.indirect.gather [hbm4b:s9+s10], $0x80, s15, s10, $0xb8;
	[tilespmem:$0x10600] =	vst v63  }
0x1d: {  	_ =	swait.ge [sflag:s17], $0x4000  }
0x1e: {  	[sflag:s17] =	ssyncset.done $0x0  }
0x1f: {  	[sflag:s17] =	ssyncadd.s32 $0xFFFFC000  }
0x20: {  	_ =	swait.ge [sflag:s17], $0x4000  }
0x21: {  	[sflag:s17] =	ssyncset.done $0x0  }
0x22: {  	[sflag:s17] =	ssyncadd.s32 $0xFFFFC000  }
0x23: {  	_ =	swait.ge [sflag:s17], $0x4000  }
0x24: {  	[sflag:s17] =	ssyncset.done $0x0  }
0x25: {  	[sflag:s17] =	ssyncadd.s32 $0xFFFFC000  }
0x26: {  	s18 =	sshll.u32 s18, $0xD;
	_ =	swait.ge [sflag:s17], $0x4000  }
0x27: {  	s30 =	sadd.s32 s18, s20;
	[sflag:s17] =	ssyncset.done $0x0  }
0x28: {  	s18 =	simm.s32 $0x3;
	s19 =	sadd.s32 $0xF42E00, s30;
	[sflag:s17] =	ssyncadd.s32 $0xFFFFC000  }
0x29: {  	[hbm4b:s19+s2] =	stream.linear.scatter [tilespmem:s11], [sflag:$0x3], $0x10000, $0x38;
	[tilespmem:$0x10600] =	vst v63  }
0x2a: {  	_ =	swait.ge [sflag:s18], $0x10000  }
0x2b: {  	[sflag:s18] =	ssyncset.done $0x0  }
0x2c: {  	s20 =	sadd.s32 $0xA00, s20;
	[sflag:s18] =	ssyncadd.s32 $0xFFFF0000  }
0x2d: {  	[tilespmem:s11], [sflag:$0x2] =	stream.indirect.gather [hbm4b:s20+s10], $0x80, s5, s10, $0xb8;
	[tilespmem:$0x10600] =	vst v63  }
0x2e: {  	s21 =	simm.s32 $0x280  }
0x2f: {  	[tilespmem:s12], [sflag:$0x2] =	stream.indirect.gather [hbm4b:s20+s10], $0x80, s21, s10, $0xb8;
	[tilespmem:$0x10600] =	vst v63  }
0x30: {  	s22 =	simm.s32 $0x300  }
0x31: {  	[tilespmem:s14], [sflag:$0x2] =	stream.indirect.gather [hbm4b:s20+s10], $0x80, s22, s10, $0xb8;
	[tilespmem:$0x10600] =	vst v63  }
0x32: {  	s23 =	simm.s32 $0x380  }
0x33: {  	[tilespmem:s16], [sflag:$0x2] =	stream.indirect.gather [hbm4b:s20+s10], $0x80, s23, s10, $0xb8;
	[tilespmem:$0x10600] =	vst v63  }
0x34: {  	_ =	swait.ge [sflag:s17], $0x4000  }
0x35: {  	[sflag:s17] =	ssyncset.done $0x0  }
0x36: {  	[sflag:s17] =	ssyncadd.s32 $0xFFFFC000  }
0x37: {  	_ =	swait.ge [sflag:s17], $0x4000  }
0x38: {  	[sflag:s17] =	ssyncset.done $0x0  }
0x39: {  	[sflag:s17] =	ssyncadd.s32 $0xFFFFC000  }
0x3a: {  	_ =	swait.ge [sflag:s17], $0x4000  }
0x3b: {  	[sflag:s17] =	ssyncset.done $0x0  }
0x3c: {  	[sflag:s17] =	ssyncadd.s32 $0xFFFFC000  }
0x3d: {  	_ =	swait.ge [sflag:s17], $0x4000  }
0x3e: {  	[sflag:s17] =	ssyncset.done $0x0  }
0x3f: {  	s24 =	sadd.s32 $0xF82E00, s30;
	[sflag:s17] =	ssyncadd.s32 $0xFFFFC000  }
0x40: {  	[hbm4b:s24+s2] =	stream.linear.scatter [tilespmem:s11], [sflag:$0x3], $0x10000, $0x38;
	[tilespmem:$0x10600] =	vst v63  }
0x41: {  	_ =	swait.ge [sflag:s18], $0x10000  }
0x42: {  	[sflag:s18] =	ssyncset.done $0x0  }
0x43: {  	[sflag:s18] =	ssyncadd.s32 $0xFFFF0000  }
0x44: {  	[tilespmem:s11], [sflag:$0x2] =	stream.indirect.gather [hbm4b:s9+s10], $0x80, s7, s10, $0xb8;
	[tilespmem:$0x10600] =	vst v63  }
0x45: {  	s25 =	simm.s32 $0x480  }
0x46: {  	[tilespmem:s12], [sflag:$0x2] =	stream.indirect.gather [hbm4b:s9+s10], $0x80, s25, s10, $0xb8;
	[tilespmem:$0x10600] =	vst v63  }
0x47: {  	s26 =	simm.s32 $0x500  }
0x48: {  	[tilespmem:s14], [sflag:$0x2] =	stream.indirect.gather [hbm4b:s9+s10], $0x80, s26, s10, $0xb8;
	[tilespmem:$0x10600] =	vst v63  }
0x49: {  	s28 =	simm.s32 $0x580  }
0x4a: {  	[tilespmem:s16], [sflag:$0x2] =	stream.indirect.gather [hbm4b:s9+s10], $0x80, s28, s10, $0xb8;
	[tilespmem:$0x10600] =	vst v63  }
0x4b: {  	_ =	swait.ge [sflag:s17], $0x4000  }
0x4c: {  	[sflag:s17] =	ssyncset.done $0x0  }
0x4d: {  	[sflag:s17] =	ssyncadd.s32 $0xFFFFC000  }
0x4e: {  	_ =	swait.ge [sflag:s17], $0x4000  }
0x4f: {  	[sflag:s17] =	ssyncset.done $0x0  }
0x50: {  	s29 =	ssub.s32 $0x2, s29;
	[sflag:s17] =	ssyncadd.s32 $0xFFFFC000  }
0x51: {  	s31 =	sshrl.u32 s29, $0x1;
	_ =	swait.ge [sflag:s17], $0x4000  }
0x52: {  	s31 =	ssub.s32 s29, s31;
	[sflag:s17] =	ssyncset.done $0x0  }
0x53: {  	s29 =	sadd.s32 $0xFC2E00, s30;
	s30 =	smax.u32 s31, $0x1;
	[sflag:s17] =	ssyncadd.s32 $0xFFFFC000  }
0x54: {  	p0 =	sne.s32 s30, $0x1;
	_ =	swait.ge [sflag:s17], $0x4000  }
.Ltmp0:
0x55: {  	[sflag:s17] =	ssyncset.done $0x0;
	(pc) =	sbr.rel @!p0 .LBB2_2-.Ltmp0, $4  }
0x56: {  	[sflag:s17] =	ssyncadd.s32 $0xFFFFC000  }
0x57: {  	[hbm4b:s29+s2] =	stream.linear.scatter [tilespmem:s11], [sflag:$0x3], $0x10000, $0x38;
	[tilespmem:$0x10600] =	vst v63  }
0x58: {  	_ =	swait.ge [sflag:s18], $0x10000  }
0x59: {  	s30 =	sadd.s32 $0xFFFFFFFF, s30;
	[sflag:s18] =	ssyncset.done $0x0  }
.LBB2_1:
0x5a: {  	p0 =	sne.s32 s30, $0x1;
	s30 =	sadd.s32 $0xFFFFFFFF, s30;
	[sflag:s18] =	ssyncadd.s32 $0xFFFF0000  }
0x5b: {  	[tilespmem:s2], [sflag:$0x1] =	stream.linear.gather [hbm4b:s3+s2], $0x200, $0x38;
	[tilespmem:$0x10600] =	vst v63  }
0x5c: {  	_ = 	snop  }
0x5d: {  	[tilespmem:s5], [sflag:$0x1] =	stream.linear.gather [hbm4b:s4+s2], $0x200, $0x38;
	[tilespmem:$0x10600] =	vst v63  }
0x5e: {  	_ = 	snop  }
0x5f: {  	[tilespmem:s7], [sflag:$0x1] =	stream.linear.gather [hbm4b:s6+s2], $0x200, $0x38;
	[tilespmem:$0x10600] =	vst v63  }
0x60: {  	_ =	swait.ge [sflag:s8], $0x200  }
0x61: {  	[sflag:s8] =	ssyncset.done $0x0  }
0x62: {  	[sflag:s8] =	ssyncadd.s32 $0xFFFFFE00  }
0x63: {  	_ =	swait.ge [sflag:s8], $0x200  }
0x64: {  	[sflag:s8] =	ssyncset.done $0x0  }
0x65: {  	[sflag:s8] =	ssyncadd.s32 $0xFFFFFE00  }
0x66: {  	_ =	swait.ge [sflag:s8], $0x200  }
0x67: {  	[sflag:s8] =	ssyncset.done $0x0  }
0x68: {  	[sflag:s8] =	ssyncadd.s32 $0xFFFFFE00  }
0x69: {  	[tilespmem:s11], [sflag:$0x2] =	stream.indirect.gather [hbm4b:s9+s10], $0x80, s2, s10, $0xb8;
	[tilespmem:$0x10600] =	vst v63  }
0x6a: {  	_ = 	snop  }
0x6b: {  	[tilespmem:s12], [sflag:$0x2] =	stream.indirect.gather [hbm4b:s9+s10], $0x80, s10, s10, $0xb8;
	[tilespmem:$0x10600] =	vst v63  }
0x6c: {  	_ = 	snop  }
0x6d: {  	[tilespmem:s14], [sflag:$0x2] =	stream.indirect.gather [hbm4b:s9+s10], $0x80, s13, s10, $0xb8;
	[tilespmem:$0x10600] =	vst v63  }
0x6e: {  	_ = 	snop  }
0x6f: {  	[tilespmem:s16], [sflag:$0x2] =	stream.indirect.gather [hbm4b:s9+s10], $0x80, s15, s10, $0xb8;
	[tilespmem:$0x10600] =	vst v63  }
0x70: {  	_ =	swait.ge [sflag:s17], $0x4000  }
0x71: {  	[sflag:s17] =	ssyncset.done $0x0  }
0x72: {  	[sflag:s17] =	ssyncadd.s32 $0xFFFFC000  }
0x73: {  	_ =	swait.ge [sflag:s17], $0x4000  }
0x74: {  	[sflag:s17] =	ssyncset.done $0x0  }
0x75: {  	[sflag:s17] =	ssyncadd.s32 $0xFFFFC000  }
0x76: {  	_ =	swait.ge [sflag:s17], $0x4000  }
0x77: {  	[sflag:s17] =	ssyncset.done $0x0  }
0x78: {  	[sflag:s17] =	ssyncadd.s32 $0xFFFFC000  }
0x79: {  	_ =	swait.ge [sflag:s17], $0x4000  }
0x7a: {  	[sflag:s17] =	ssyncset.done $0x0  }
0x7b: {  	[sflag:s17] =	ssyncadd.s32 $0xFFFFC000  }
0x7c: {  	[hbm4b:s19+s2] =	stream.linear.scatter [tilespmem:s11], [sflag:$0x3], $0x10000, $0x38;
	[tilespmem:$0x10600] =	vst v63  }
0x7d: {  	_ =	swait.ge [sflag:s18], $0x10000  }
0x7e: {  	[sflag:s18] =	ssyncset.done $0x0  }
0x7f: {  	[sflag:s18] =	ssyncadd.s32 $0xFFFF0000  }
0x80: {  	[tilespmem:s11], [sflag:$0x2] =	stream.indirect.gather [hbm4b:s20+s10], $0x80, s5, s10, $0xb8;
	[tilespmem:$0x10600] =	vst v63  }
0x81: {  	_ = 	snop  }
0x82: {  	[tilespmem:s12], [sflag:$0x2] =	stream.indirect.gather [hbm4b:s20+s10], $0x80, s21, s10, $0xb8;
	[tilespmem:$0x10600] =	vst v63  }
0x83: {  	_ = 	snop  }
0x84: {  	[tilespmem:s14], [sflag:$0x2] =	stream.indirect.gather [hbm4b:s20+s10], $0x80, s22, s10, $0xb8;
	[tilespmem:$0x10600] =	vst v63  }
0x85: {  	_ = 	snop  }
0x86: {  	[tilespmem:s16], [sflag:$0x2] =	stream.indirect.gather [hbm4b:s20+s10], $0x80, s23, s10, $0xb8;
	[tilespmem:$0x10600] =	vst v63  }
0x87: {  	_ =	swait.ge [sflag:s17], $0x4000  }
0x88: {  	[sflag:s17] =	ssyncset.done $0x0  }
0x89: {  	[sflag:s17] =	ssyncadd.s32 $0xFFFFC000  }
0x8a: {  	_ =	swait.ge [sflag:s17], $0x4000  }
0x8b: {  	[sflag:s17] =	ssyncset.done $0x0  }
0x8c: {  	[sflag:s17] =	ssyncadd.s32 $0xFFFFC000  }
0x8d: {  	_ =	swait.ge [sflag:s17], $0x4000  }
0x8e: {  	[sflag:s17] =	ssyncset.done $0x0  }
0x8f: {  	[sflag:s17] =	ssyncadd.s32 $0xFFFFC000  }
0x90: {  	_ =	swait.ge [sflag:s17], $0x4000  }
0x91: {  	[sflag:s17] =	ssyncset.done $0x0  }
0x92: {  	[sflag:s17] =	ssyncadd.s32 $0xFFFFC000  }
0x93: {  	[hbm4b:s24+s2] =	stream.linear.scatter [tilespmem:s11], [sflag:$0x3], $0x10000, $0x38;
	[tilespmem:$0x10600] =	vst v63  }
0x94: {  	_ =	swait.ge [sflag:s18], $0x10000  }
0x95: {  	[sflag:s18] =	ssyncset.done $0x0  }
0x96: {  	[sflag:s18] =	ssyncadd.s32 $0xFFFF0000  }
0x97: {  	[tilespmem:s11], [sflag:$0x2] =	stream.indirect.gather [hbm4b:s9+s10], $0x80, s7, s10, $0xb8;
	[tilespmem:$0x10600] =	vst v63  }
0x98: {  	_ = 	snop  }
0x99: {  	[tilespmem:s12], [sflag:$0x2] =	stream.indirect.gather [hbm4b:s9+s10], $0x80, s25, s10, $0xb8;
	[tilespmem:$0x10600] =	vst v63  }
0x9a: {  	_ = 	snop  }
0x9b: {  	[tilespmem:s14], [sflag:$0x2] =	stream.indirect.gather [hbm4b:s9+s10], $0x80, s26, s10, $0xb8;
	[tilespmem:$0x10600] =	vst v63  }
0x9c: {  	_ = 	snop  }
0x9d: {  	[tilespmem:s16], [sflag:$0x2] =	stream.indirect.gather [hbm4b:s9+s10], $0x80, s28, s10, $0xb8;
	[tilespmem:$0x10600] =	vst v63  }
0x9e: {  	_ =	swait.ge [sflag:s17], $0x4000  }
0x9f: {  	[sflag:s17] =	ssyncset.done $0x0  }
0xa0: {  	[sflag:s17] =	ssyncadd.s32 $0xFFFFC000  }
0xa1: {  	_ =	swait.ge [sflag:s17], $0x4000  }
0xa2: {  	[sflag:s17] =	ssyncset.done $0x0  }
0xa3: {  	[sflag:s17] =	ssyncadd.s32 $0xFFFFC000  }
0xa4: {  	_ =	swait.ge [sflag:s17], $0x4000  }
0xa5: {  	[sflag:s17] =	ssyncset.done $0x0  }
0xa6: {  	[sflag:s17] =	ssyncadd.s32 $0xFFFFC000  }
0xa7: {  	_ =	swait.ge [sflag:s17], $0x4000  }
.Ltmp1:
0xa8: {  	[sflag:s17] =	ssyncset.done $0x0;
	(pc) =	sbr.rel @p0 .LBB2_1-.Ltmp1, $4  }
0xa9: {  	[sflag:s17] =	ssyncadd.s32 $0xFFFFC000  }
0xaa: {  	[hbm4b:s29+s2] =	stream.linear.scatter [tilespmem:s11], [sflag:$0x3], $0x10000, $0x38;
	[tilespmem:$0x10600] =	vst v63  }
0xab: {  	_ =	swait.ge [sflag:s18], $0x10000  }
0xac: {  	[sflag:s18] =	ssyncset.done $0x0  }
.LBB2_2:
0xad: {  	[sflag:s18] =	ssyncadd.s32 $0xFFFF0000  }
0xae: {  	_ =	sfence.sel $0x180000  }
0xaf: {  	[bflag:$0x0] =	sbarrier.arrive $0xFFFF  }
0xb0: {  	p0 =	sne.s32 s0, $0x0;
	_ =	strace $0x90000047  }
0xb1: {  	s0 =	sadd.s32 @!p0 $0x100000, s1;
	[bflag:$0x2] =	sbarrier.arrive $0xFFFF  }
0xb2: {  	[sflag:s0] =	ssyncadd.tile.s32 @!p0 $0x1;
	_ =	shalt  }
.Lfunc_end2:
_tile_overlayer_lowered:
.L_overlay_start_2:
0xb3: {  	(tag) =	ssettag $0x2  }
0xb4: {  	s0 =	rddreg [dreg:$0x0];
	s2 =	stileid.u32  }
0xb5: {  	s1 =	rddreg [dreg:$0x1];
	p0 =	sne.s32 s2, $0x0  }
0xb6: {  	s3 =	rddreg [dreg:$0x2];
	[bflag:$0x3] =	sbarrier.arrive $0xFFFF;
	s2 =	simm.s32 @!p0 $0x1C03  }
0xb7: {  	[timem:s3], [sflag:s2] =	dma.local @!p0 [hbm:s0], s1  }
0xb8: {  	s0 =	simm.s32 @!p0 $0x3  }
0xb9: {  	_ =	swait.ge @!p0 [sflag:s0], s1  }
0xba: {  	s1 =	ssub.s32 @!p0 $0x0, s1;
	[sflag:s0] =	ssyncset.done @!p0 $0x0  }
0xbb: {  	[sflag:s0] =	ssyncadd.s32 @!p0 s1  }
0xbc: {  	[bflag:$0x3] =	sbarrier.arrive $0xFFFF  }
0xbd: {  	_ =	shalt  }

</sc_bundles>
